<compile_context>
chip_gen: v7x
topology: tpu7x:2x2x1
jax: 0.10.2.dev20260603
libtpu: 0.0.44.dev20260713+nightly
codegen_flags: <defaults>
</compile_context>

<pallas_src>
import jax
import jax.numpy as jnp
from jax import lax
from jax.experimental import pallas as pl
from jax.experimental.pallas import tpu as pltpu
from jax.experimental.pallas import tpu_sc as plsc

_CONF = 0.25
_IOU_THR = 0.45
_MAX_DET = 300
_N_BOXES = 20000

_NT = 16
_L = 16
_CH = 1280
_NV = _CH // _L
_NPAD = _NT * _CH
_OUT_PAD = 320
_XW = _NT * _L
_BIG = 2**30


def _nms_call(x1, y1, x2, y2, s, c):
    mesh = plsc.VectorSubcoreMesh(
        core_axis_name="c", subcore_axis_name="s", num_cores=1,
        num_subcores=_NT)

    def body(x1h, y1h, x2h, y2h, sh, ch, out_h,
             x1v, y1v, x2v, y2v, sv, areav, clsv, stag, allv, outv, shp):
        tid = lax.axis_index("s")
        base = tid * _CH
        lane = lax.broadcasted_iota(jnp.int32, (_L,), 0)
        zerof = jnp.zeros((_L,), jnp.float32)
        neg2 = jnp.full((_L,), -2.0, jnp.float32)
        zero_i = jnp.zeros((_L,), jnp.int32)

        pltpu.sync_copy(x1h.at[pl.ds(base, _CH)], x1v)
        pltpu.sync_copy(y1h.at[pl.ds(base, _CH)], y1v)
        pltpu.sync_copy(x2h.at[pl.ds(base, _CH)], x2v)
        pltpu.sync_copy(y2h.at[pl.ds(base, _CH)], y2v)
        pltpu.sync_copy(sh.at[pl.ds(base, _CH)], sv)
        pltpu.sync_copy(ch.at[pl.ds(base, _CH)], clsv)

        def seed0(ref):
            plsc.store_scatter(ref, [lane], zerof, mask=lane < 1)

        def init_i(i, carry):
            off, bestv, bposv = carry
            sl = pl.ds(i * _L, _L)
            sval = sv[sl]
            bx1 = x1v[sl]
            by1 = y1v[sl]
            bx2 = x2v[sl]
            by2 = y2v[sl]
            bcl = clsv[sl]
            m = sval > _CONF
            pos = off + plsc.cumsum(m.astype(jnp.int32)) - 1
            plsc.store_scatter(sv, [pos], sval, mask=m)
            plsc.store_scatter(x1v, [pos], bx1, mask=m)
            plsc.store_scatter(y1v, [pos], by1, mask=m)
            plsc.store_scatter(x2v, [pos], bx2, mask=m)
            plsc.store_scatter(y2v, [pos], by2, mask=m)
            plsc.store_scatter(clsv, [pos], bcl, mask=m)
            area = (bx2 - bx1) * (by2 - by1)
            plsc.store_scatter(areav, [pos], area, mask=m)
            better = m & (sval > bestv)
            bestv = jnp.where(better, sval, bestv)
            bposv = jnp.where(better, pos, bposv)
            return (off + plsc.all_reduce_population_count(m), bestv, bposv)

        offv, bestv0, bposv0 = lax.fori_loop(
            0, _NV, init_i, (zero_i, neg2, zero_i))
        act = jnp.max(offv)

        @pl.when(act == 0)
        def _():
            seed0(x1v)
            seed0(y1v)
            seed0(x2v)
            seed0(y2v)
            seed0(areav)
            seed0(clsv)

        negones = jnp.full((_L,), -1.0, jnp.float32)
        for k in range(4):
            tpos = offv + k * _L + lane
            plsc.store_scatter(sv, [tpos], negones, mask=tpos < _CH)
        nch = jnp.right_shift(act + 63, 6)

        full15 = jnp.full((_L,), _L - 1, jnp.int32)
        gdn = lax.GatherDimensionNumbers(
            offset_dims=(), collapsed_slice_dims=(0,), start_index_map=(0,))

        def bclast(v):
            return lax.gather(v, full15[:, None], gdn, (1,),
                              mode=lax.GatherScatterMode.PROMISE_IN_BOUNDS)

        def step(t, carry):
            bestv, bposv = carry
            maxs = bclast(plsc.cummax(bestv))
            lidx = -bclast(plsc.cummax(-jnp.where(bestv == maxs, bposv, _BIG)))
            wx1l = plsc.load_gather(x1v, [lidx])
            wy1l = plsc.load_gather(y1v, [lidx])
            wx2l = plsc.load_gather(x2v, [lidx])
            wy2l = plsc.load_gather(y2v, [lidx])
            wal = plsc.load_gather(areav, [lidx])
            wcl = plsc.load_gather(clsv, [lidx])
            row = maxs
            row = jnp.where(lane == 1, wx1l, row)
            row = jnp.where(lane == 2, wy1l, row)
            row = jnp.where(lane == 3, wx2l, row)
            row = jnp.where(lane == 4, wy2l, row)
            row = jnp.where(lane == 5, wal, row)
            row = jnp.where(lane == 6, wcl, row)
            stag[...] = row
            pbuf = jnp.bitwise_and(t, 1) * _XW
            pltpu.sync_copy(stag, shp.at[pl.ds(pbuf + tid * _L, _L)])
            plsc.subcore_barrier()
            pltpu.sync_copy(shp.at[pl.ds(pbuf, _XW)], allv)

            msv = plsc.load_gather(allv, [lane * _L])
            gms = bclast(plsc.cummax(msv))
            wts = -bclast(plsc.cummax(
                -jnp.where(msv == gms, lane, jnp.int32(_L - 1))))
            wb = wts * _L
            wx1 = plsc.load_gather(allv, [wb + 1])
            wy1 = plsc.load_gather(allv, [wb + 2])
            wx2 = plsc.load_gather(allv, [wb + 3])
            wy2 = plsc.load_gather(allv, [wb + 4])
            wa = plsc.load_gather(allv, [wb + 5])
            wcls = plsc.load_gather(allv, [wb + 6])
            validv = gms > 0.0
            vfv = jnp.where(validv, 1.0, 0.0)

            @plsc.parallel_loop(0, nch, 1, carry=(neg2, zero_i))
            def sup_i(i, cc):
                bv, bpv = cc
                for k in range(4):
                    sl = pl.ds(i * 64 + k * _L, _L)
                    ix1 = jnp.maximum(wx1, x1v[sl])
                    iy1 = jnp.maximum(wy1, y1v[sl])
                    ix2 = jnp.minimum(wx2, x2v[sl])
                    iy2 = jnp.minimum(wy2, y2v[sl])
                    inter = (jnp.maximum(ix2 - ix1, 0.0)
                             * jnp.maximum(iy2 - iy1, 0.0))
                    iou = inter / (wa + areav[sl] - inter + 1e-9)
                    s_new = jnp.where(iou > _IOU_THR, -1.0, sv[sl])
                    sv[sl] = s_new
                    pos = i * 64 + k * _L + lane
                    better = s_new > bv
                    bv = jnp.where(better, s_new, bv)
                    bpv = jnp.where(better, pos, bpv)
                return bv, bpv

            @pl.when(tid == 0)
            def _():
                ov = vfv
                ov = jnp.where(lane == 0, wx1 * vfv, ov)
                ov = jnp.where(lane == 1, wy1 * vfv, ov)
                ov = jnp.where(lane == 2, wx2 * vfv, ov)
                ov = jnp.where(lane == 3, wy2 * vfv, ov)
                ov = jnp.where(lane == 4, jnp.where(validv, wcls, -1.0), ov)
                ov = jnp.where(lane == 5, jnp.where(validv, gms, 0.0), ov)
                plsc.store_scatter(outv, [t * 8 + lane], ov, mask=lane < 7)

            return sup_i

        lax.fori_loop(0, _MAX_DET, step, (bestv0, bposv0))

        @pl.when(tid == 0)
        def _():
            pltpu.sync_copy(outv, out_h)

    call = pl.kernel(
        body,
        out_type=jax.ShapeDtypeStruct((_OUT_PAD * 8,), jnp.float32),
        mesh=mesh,
        compiler_params=pltpu.CompilerParams(needs_layout_passes=False),
        scratch_types=[
            pltpu.VMEM((_CH,), jnp.float32),
            pltpu.VMEM((_CH,), jnp.float32),
            pltpu.VMEM((_CH,), jnp.float32),
            pltpu.VMEM((_CH,), jnp.float32),
            pltpu.VMEM((_CH,), jnp.float32),
            pltpu.VMEM((_CH,), jnp.float32),
            pltpu.VMEM((_CH,), jnp.float32),
            pltpu.VMEM((_L,), jnp.float32),
            pltpu.VMEM((_XW,), jnp.float32),
            pltpu.VMEM((_OUT_PAD * 8,), jnp.float32),
            pltpu.VMEM_SHARED((2 * _XW,), jnp.float32),
        ],
    )
    return call(x1, y1, x2, y2, s, c)


def kernel(boxes, scores, classes):
    pad = _NPAD - _N_BOXES
    x1 = jnp.pad(boxes[:, 0], (0, pad))
    y1 = jnp.pad(boxes[:, 1], (0, pad))
    x2 = jnp.pad(boxes[:, 2], (0, pad))
    y2 = jnp.pad(boxes[:, 3], (0, pad))
    s = jnp.pad(scores, (0, pad), constant_values=-1.0)
    c = jnp.pad(classes.astype(jnp.float32), (0, pad))

    out = _nms_call(x1, y1, x2, y2, s, c)
    out = out.reshape(_OUT_PAD, 8)[:_MAX_DET]
    boxes_b = out[:, 0:4]
    labels_b = out[:, 4].astype(jnp.int32)
    scores_b = out[:, 5]
    sel_valid = out[:, 6] > 0.0
    return boxes_b, labels_b, scores_b, sel_valid

# --- scband reference (transcript-rebuilt; emitter-appended) ---
"""Pipeline reference for scband-yolo11-detector-8022998909041 (READ-ONLY COPY).

The authoritative reference and input builder live on the scoring server;
editing this copy changes nothing except your own understanding.
"""

import jax, jax.numpy as jnp
import numpy as np

NUM_CLASSES = 80
IMGSZ = 640
CONF = 0.25
IOU_THR = 0.45
MAX_DET = 300
N_BOXES = 20000


def setup_inputs(seed: int = 0) -> dict:
    key = jax.random.key(seed)
    k1, k2, k3, k4 = jax.random.split(key, 4)
    xy = jax.random.uniform(k1, (N_BOXES, 2), dtype=jnp.float32) * (IMGSZ - 64)
    wh = jax.random.uniform(k2, (N_BOXES, 2), dtype=jnp.float32) * 60.0 + 4.0
    boxes = jnp.concatenate([xy, xy + wh], axis=1).astype(jnp.float32)
    scores = jax.random.uniform(k3, (N_BOXES,), dtype=jnp.float32)
    classes = jax.random.randint(k4, (N_BOXES,), 0, NUM_CLASSES, dtype=jnp.int32)
    return {"boxes": boxes, "scores": scores, "classes": classes}


def _box_iou_one_to_many(box, boxes):
    x1 = jnp.maximum(box[0], boxes[:, 0])
    y1 = jnp.maximum(box[1], boxes[:, 1])
    x2 = jnp.minimum(box[2], boxes[:, 2])
    y2 = jnp.minimum(box[3], boxes[:, 3])
    inter = jnp.clip(x2 - x1, 0.0) * jnp.clip(y2 - y1, 0.0)
    area_a = (box[2] - box[0]) * (box[3] - box[1])
    area_b = (boxes[:, 2] - boxes[:, 0]) * (boxes[:, 3] - boxes[:, 1])
    return inter / (area_a + area_b - inter + 1e-9)


def _nms_select(boxes, scores):
    # selection path is non-differentiable (matches torch inference_mode NMS)
    sb = jax.lax.stop_gradient(boxes)
    ss = jax.lax.stop_gradient(scores)
    s0 = jnp.where(ss > CONF, ss, -1.0)
    n = sb.shape[0]
    idx_range = jnp.arange(n)

    def step(s_cur, _):
        idx = jnp.argmax(s_cur)
        best = s_cur[idx]
        valid = best > 0.0
        box = sb[idx]
        iou_v = _box_iou_one_to_many(box, sb)
        suppress = (iou_v > IOU_THR) | (idx_range == idx)
        s_next = jnp.where(suppress, -1.0, s_cur)
        return s_next, (idx, valid)

    _, (sel_idx, sel_valid) = jax.lax.scan(step, s0, None, length=MAX_DET)
    return sel_idx, sel_valid


def reference(boxes, scores, classes):
    sel_idx, sel_valid = _nms_select(boxes, scores)
    vf = sel_valid.astype(boxes.dtype)
    boxes_b = boxes[sel_idx] * vf[:, None]
    scores_b = scores[sel_idx] * vf
    labels_b = jnp.where(sel_valid, classes[sel_idx], -1)
    return boxes_b, labels_b, scores_b, sel_valid

if __name__ == "__main__":
    import jax
    _d = setup_inputs()
    print(jax.jit(kernel)(*tuple(_d.values())))

</pallas_src>

<mosaic_0001>
#map = affine_map<(d0, d1) -> (0)>
module attributes {stable_mosaic.version = 14 : i64} {
  func.func @body(%arg0: i32, %arg1: i32, %arg2: memref<20480xf32, #tpu.memory_space<hbm>>, %arg3: memref<20480xf32, #tpu.memory_space<hbm>>, %arg4: memref<20480xf32, #tpu.memory_space<hbm>>, %arg5: memref<20480xf32, #tpu.memory_space<hbm>>, %arg6: memref<20480xf32, #tpu.memory_space<hbm>>, %arg7: memref<20480xf32, #tpu.memory_space<hbm>>, %arg8: memref<2560xf32, #tpu.memory_space<hbm>>, %arg9: memref<1280xf32, #tpu.memory_space<vmem>>, %arg10: memref<1280xf32, #tpu.memory_space<vmem>>, %arg11: memref<1280xf32, #tpu.memory_space<vmem>>, %arg12: memref<1280xf32, #tpu.memory_space<vmem>>, %arg13: memref<1280xf32, #tpu.memory_space<vmem>>, %arg14: memref<1280xf32, #tpu.memory_space<vmem>>, %arg15: memref<1280xf32, #tpu.memory_space<vmem>>, %arg16: memref<16xf32, #tpu.memory_space<vmem>>, %arg17: memref<256xf32, #tpu.memory_space<vmem>>, %arg18: memref<2560xf32, #tpu.memory_space<vmem>>, %arg19: memref<512xf32, #tpu.memory_space<vmem_shared>>) attributes {dimension_semantics = [#tpu.dimension_semantics<core_parallel>, #tpu.dimension_semantics<subcore_parallel>], iteration_bounds = array<i64: 1, 16>, scalar_prefetch = 0 : i64, scratch_operands = 11 : i64, tpu.core_type = #tpu.core_type<sc_vector_subcore>, window_params = [{transform_indices = #map}, {transform_indices = #map}, {transform_indices = #map}, {transform_indices = #map}, {transform_indices = #map}, {transform_indices = #map}, {transform_indices = #map}]} {
    %mul3A = arith.constant 1280 : i32
    %mul3A_0 = arith.muli %arg1, %mul3A : i32
    %iota3A = tpu.iota {dimensions = array<i32: 0>} : vector<16xi32>
    %broadcast_in_dim3A = arith.constant 0.000000e+00 : f32
    %broadcast_in_dim3A_1 = vector.broadcast %broadcast_in_dim3A : f32 to vector<16xf32>
    %broadcast_in_dim3A_2 = arith.constant -2.000000e+00 : f32
    %broadcast_in_dim3A_3 = vector.broadcast %broadcast_in_dim3A_2 : f32 to vector<16xf32>
    %broadcast_in_dim3A_4 = arith.constant 0 : i32
    %broadcast_in_dim3A_5 = vector.broadcast %broadcast_in_dim3A_4 : i32 to vector<16xi32>
    "tpu.region"() ({
      %run_scoped3A = tpu.sem_alloc : memref<!tpu.dma_semaphore, #tpu.memory_space<semaphore_mem>>
      %dma_start3A = tpu.memref_slice %arg2[%mul3A_0] : memref<20480xf32, #tpu.memory_space<hbm>> -> memref<1280xf32, #tpu.memory_space<hbm>>
      %dma_start3A_64 = tpu.memref_slice %arg2[%mul3A_0] : memref<20480xf32, #tpu.memory_space<hbm>> -> memref<1280xf32, #tpu.memory_space<hbm>>
      tpu.enqueue_dma source(%dma_start3A_64 : memref<1280xf32, #tpu.memory_space<hbm>>) target(%arg9 : memref<1280xf32, #tpu.memory_space<vmem>>) target_semaphore(%run_scoped3A : memref<!tpu.dma_semaphore, #tpu.memory_space<semaphore_mem>>)
      %dma_wait3A = tpu.memref_slice %arg2[%mul3A_0] : memref<20480xf32, #tpu.memory_space<hbm>> -> memref<1280xf32, #tpu.memory_space<hbm>>
      %dma_wait3A_65 = tpu.memref_slice %arg2[%mul3A_0] : memref<20480xf32, #tpu.memory_space<hbm>> -> memref<1280xf32, #tpu.memory_space<hbm>>
      tpu.wait_dma2 semaphore(%run_scoped3A : memref<!tpu.dma_semaphore, #tpu.memory_space<semaphore_mem>>) src(%dma_wait3A_65 : memref<1280xf32, #tpu.memory_space<hbm>>) dst(%arg9 : memref<1280xf32, #tpu.memory_space<vmem>>)
      tpu.yield
    }) : () -> ()
    "tpu.region"() ({
      %run_scoped3A = tpu.sem_alloc : memref<!tpu.dma_semaphore, #tpu.memory_space<semaphore_mem>>
      %dma_start3A = tpu.memref_slice %arg3[%mul3A_0] : memref<20480xf32, #tpu.memory_space<hbm>> -> memref<1280xf32, #tpu.memory_space<hbm>>
      %dma_start3A_64 = tpu.memref_slice %arg3[%mul3A_0] : memref<20480xf32, #tpu.memory_space<hbm>> -> memref<1280xf32, #tpu.memory_space<hbm>>
      tpu.enqueue_dma source(%dma_start3A_64 : memref<1280xf32, #tpu.memory_space<hbm>>) target(%arg10 : memref<1280xf32, #tpu.memory_space<vmem>>) target_semaphore(%run_scoped3A : memref<!tpu.dma_semaphore, #tpu.memory_space<semaphore_mem>>)
      %dma_wait3A = tpu.memref_slice %arg3[%mul3A_0] : memref<20480xf32, #tpu.memory_space<hbm>> -> memref<1280xf32, #tpu.memory_space<hbm>>
      %dma_wait3A_65 = tpu.memref_slice %arg3[%mul3A_0] : memref<20480xf32, #tpu.memory_space<hbm>> -> memref<1280xf32, #tpu.memory_space<hbm>>
      tpu.wait_dma2 semaphore(%run_scoped3A : memref<!tpu.dma_semaphore, #tpu.memory_space<semaphore_mem>>) src(%dma_wait3A_65 : memref<1280xf32, #tpu.memory_space<hbm>>) dst(%arg10 : memref<1280xf32, #tpu.memory_space<vmem>>)
      tpu.yield
    }) : () -> ()
    "tpu.region"() ({
      %run_scoped3A = tpu.sem_alloc : memref<!tpu.dma_semaphore, #tpu.memory_space<semaphore_mem>>
      %dma_start3A = tpu.memref_slice %arg4[%mul3A_0] : memref<20480xf32, #tpu.memory_space<hbm>> -> memref<1280xf32, #tpu.memory_space<hbm>>
      %dma_start3A_64 = tpu.memref_slice %arg4[%mul3A_0] : memref<20480xf32, #tpu.memory_space<hbm>> -> memref<1280xf32, #tpu.memory_space<hbm>>
      tpu.enqueue_dma source(%dma_start3A_64 : memref<1280xf32, #tpu.memory_space<hbm>>) target(%arg11 : memref<1280xf32, #tpu.memory_space<vmem>>) target_semaphore(%run_scoped3A : memref<!tpu.dma_semaphore, #tpu.memory_space<semaphore_mem>>)
      %dma_wait3A = tpu.memref_slice %arg4[%mul3A_0] : memref<20480xf32, #tpu.memory_space<hbm>> -> memref<1280xf32, #tpu.memory_space<hbm>>
      %dma_wait3A_65 = tpu.memref_slice %arg4[%mul3A_0] : memref<20480xf32, #tpu.memory_space<hbm>> -> memref<1280xf32, #tpu.memory_space<hbm>>
      tpu.wait_dma2 semaphore(%run_scoped3A : memref<!tpu.dma_semaphore, #tpu.memory_space<semaphore_mem>>) src(%dma_wait3A_65 : memref<1280xf32, #tpu.memory_space<hbm>>) dst(%arg11 : memref<1280xf32, #tpu.memory_space<vmem>>)
      tpu.yield
    }) : () -> ()
    "tpu.region"() ({
      %run_scoped3A = tpu.sem_alloc : memref<!tpu.dma_semaphore, #tpu.memory_space<semaphore_mem>>
      %dma_start3A = tpu.memref_slice %arg5[%mul3A_0] : memref<20480xf32, #tpu.memory_space<hbm>> -> memref<1280xf32, #tpu.memory_space<hbm>>
      %dma_start3A_64 = tpu.memref_slice %arg5[%mul3A_0] : memref<20480xf32, #tpu.memory_space<hbm>> -> memref<1280xf32, #tpu.memory_space<hbm>>
      tpu.enqueue_dma source(%dma_start3A_64 : memref<1280xf32, #tpu.memory_space<hbm>>) target(%arg12 : memref<1280xf32, #tpu.memory_space<vmem>>) target_semaphore(%run_scoped3A : memref<!tpu.dma_semaphore, #tpu.memory_space<semaphore_mem>>)
      %dma_wait3A = tpu.memref_slice %arg5[%mul3A_0] : memref<20480xf32, #tpu.memory_space<hbm>> -> memref<1280xf32, #tpu.memory_space<hbm>>
      %dma_wait3A_65 = tpu.memref_slice %arg5[%mul3A_0] : memref<20480xf32, #tpu.memory_space<hbm>> -> memref<1280xf32, #tpu.memory_space<hbm>>
      tpu.wait_dma2 semaphore(%run_scoped3A : memref<!tpu.dma_semaphore, #tpu.memory_space<semaphore_mem>>) src(%dma_wait3A_65 : memref<1280xf32, #tpu.memory_space<hbm>>) dst(%arg12 : memref<1280xf32, #tpu.memory_space<vmem>>)
      tpu.yield
    }) : () -> ()
    "tpu.region"() ({
      %run_scoped3A = tpu.sem_alloc : memref<!tpu.dma_semaphore, #tpu.memory_space<semaphore_mem>>
      %dma_start3A = tpu.memref_slice %arg6[%mul3A_0] : memref<20480xf32, #tpu.memory_space<hbm>> -> memref<1280xf32, #tpu.memory_space<hbm>>
      %dma_start3A_64 = tpu.memref_slice %arg6[%mul3A_0] : memref<20480xf32, #tpu.memory_space<hbm>> -> memref<1280xf32, #tpu.memory_space<hbm>>
      tpu.enqueue_dma source(%dma_start3A_64 : memref<1280xf32, #tpu.memory_space<hbm>>) target(%arg13 : memref<1280xf32, #tpu.memory_space<vmem>>) target_semaphore(%run_scoped3A : memref<!tpu.dma_semaphore, #tpu.memory_space<semaphore_mem>>)
      %dma_wait3A = tpu.memref_slice %arg6[%mul3A_0] : memref<20480xf32, #tpu.memory_space<hbm>> -> memref<1280xf32, #tpu.memory_space<hbm>>
      %dma_wait3A_65 = tpu.memref_slice %arg6[%mul3A_0] : memref<20480xf32, #tpu.memory_space<hbm>> -> memref<1280xf32, #tpu.memory_space<hbm>>
      tpu.wait_dma2 semaphore(%run_scoped3A : memref<!tpu.dma_semaphore, #tpu.memory_space<semaphore_mem>>) src(%dma_wait3A_65 : memref<1280xf32, #tpu.memory_space<hbm>>) dst(%arg13 : memref<1280xf32, #tpu.memory_space<vmem>>)
      tpu.yield
    }) : () -> ()
    "tpu.region"() ({
      %run_scoped3A = tpu.sem_alloc : memref<!tpu.dma_semaphore, #tpu.memory_space<semaphore_mem>>
      %dma_start3A = tpu.memref_slice %arg7[%mul3A_0] : memref<20480xf32, #tpu.memory_space<hbm>> -> memref<1280xf32, #tpu.memory_space<hbm>>
      %dma_start3A_64 = tpu.memref_slice %arg7[%mul3A_0] : memref<20480xf32, #tpu.memory_space<hbm>> -> memref<1280xf32, #tpu.memory_space<hbm>>
      tpu.enqueue_dma source(%dma_start3A_64 : memref<1280xf32, #tpu.memory_space<hbm>>) target(%arg15 : memref<1280xf32, #tpu.memory_space<vmem>>) target_semaphore(%run_scoped3A : memref<!tpu.dma_semaphore, #tpu.memory_space<semaphore_mem>>)
      %dma_wait3A = tpu.memref_slice %arg7[%mul3A_0] : memref<20480xf32, #tpu.memory_space<hbm>> -> memref<1280xf32, #tpu.memory_space<hbm>>
      %dma_wait3A_65 = tpu.memref_slice %arg7[%mul3A_0] : memref<20480xf32, #tpu.memory_space<hbm>> -> memref<1280xf32, #tpu.memory_space<hbm>>
      tpu.wait_dma2 semaphore(%run_scoped3A : memref<!tpu.dma_semaphore, #tpu.memory_space<semaphore_mem>>) src(%dma_wait3A_65 : memref<1280xf32, #tpu.memory_space<hbm>>) dst(%arg15 : memref<1280xf32, #tpu.memory_space<vmem>>)
      tpu.yield
    }) : () -> ()
    %scan3A = arith.constant 0 : i32
    %scan3A_6 = arith.constant 80 : i32
    %scan3A_7 = arith.addi %scan3A, %scan3A_6 : i32
    %scan3A_8 = arith.constant 1 : i32
    %scan3A_9:3 = scf.for %scan3A_64 = %scan3A to %scan3A_7 step %scan3A_8 iter_args(%scan3A_65 = %broadcast_in_dim3A_5, %scan3A_66 = %broadcast_in_dim3A_3, %scan3A_67 = %broadcast_in_dim3A_5) -> (vector<16xi32>, vector<16xf32>, vector<16xi32>)  : i32 {
      %mul3A_68 = arith.constant 16 : i32
      %mul3A_69 = arith.muli %scan3A_64, %mul3A_68 : i32
      %get3A = arith.index_cast %mul3A_69 : i32 to index
      %get3A_70 = tpu.vector_load %arg13[%get3A] {strides = array<i32>} : memref<1280xf32, #tpu.memory_space<vmem>>, vector<16xf32>,
      %get3A_71 = arith.index_cast %mul3A_69 : i32 to index
      %get3A_72 = tpu.vector_load %arg9[%get3A_71] {strides = array<i32>} : memref<1280xf32, #tpu.memory_space<vmem>>, vector<16xf32>,
      %get3A_73 = arith.index_cast %mul3A_69 : i32 to index
      %get3A_74 = tpu.vector_load %arg10[%get3A_73] {strides = array<i32>} : memref<1280xf32, #tpu.memory_space<vmem>>, vector<16xf32>,
      %get3A_75 = arith.index_cast %mul3A_69 : i32 to index
      %get3A_76 = tpu.vector_load %arg11[%get3A_75] {strides = array<i32>} : memref<1280xf32, #tpu.memory_space<vmem>>, vector<16xf32>,
      %get3A_77 = arith.index_cast %mul3A_69 : i32 to index
      %get3A_78 = tpu.vector_load %arg12[%get3A_77] {strides = array<i32>} : memref<1280xf32, #tpu.memory_space<vmem>>, vector<16xf32>,
      %get3A_79 = arith.index_cast %mul3A_69 : i32 to index
      %get3A_80 = tpu.vector_load %arg15[%get3A_79] {strides = array<i32>} : memref<1280xf32, #tpu.memory_space<vmem>>, vector<16xf32>,
      %gt3A = arith.constant 2.500000e-01 : f32
      %gt3A_81 = vector.broadcast %gt3A : f32 to vector<16xf32>
      %gt3A_82 = arith.cmpf ogt, %get3A_70, %gt3A_81 : vector<16xf32>
      %convert_element_type3A_83 = arith.extui %gt3A_82 : vector<16xi1> to vector<16xi32>
      %broadcast_in_dim3A_84 = arith.constant true
      %broadcast_in_dim3A_85 = vector.broadcast %broadcast_in_dim3A_84 : i1 to vector<16xi1>
      %masked_cumsum3A = tpu.scan <sum>, %convert_element_type3A_83 masked %broadcast_in_dim3A_85 : vector<16xi32>, vector<16xi1> -> vector<16xi32>
      %add3A_86 = arith.addi %scan3A_65, %masked_cumsum3A : vector<16xi32>
      %sub3A = arith.constant 1 : i32
      %sub3A_87 = vector.broadcast %sub3A : i32 to vector<16xi32>
      %sub3A_88 = arith.subi %add3A_86, %sub3A_87 : vector<16xi32>
      tpu.vector_store_idx %arg13[%sub3A_88], %get3A_70 masked %gt3A_82 : memref<1280xf32, #tpu.memory_space<vmem>>[vector<16xi32>], vector<16xf32>, vector<16xi1>
      tpu.vector_store_idx %arg9[%sub3A_88], %get3A_72 masked %gt3A_82 : memref<1280xf32, #tpu.memory_space<vmem>>[vector<16xi32>], vector<16xf32>, vector<16xi1>
      tpu.vector_store_idx %arg10[%sub3A_88], %get3A_74 masked %gt3A_82 : memref<1280xf32, #tpu.memory_space<vmem>>[vector<16xi32>], vector<16xf32>, vector<16xi1>
      tpu.vector_store_idx %arg11[%sub3A_88], %get3A_76 masked %gt3A_82 : memref<1280xf32, #tpu.memory_space<vmem>>[vector<16xi32>], vector<16xf32>, vector<16xi1>
      tpu.vector_store_idx %arg12[%sub3A_88], %get3A_78 masked %gt3A_82 : memref<1280xf32, #tpu.memory_space<vmem>>[vector<16xi32>], vector<16xf32>, vector<16xi1>
      tpu.vector_store_idx %arg15[%sub3A_88], %get3A_80 masked %gt3A_82 : memref<1280xf32, #tpu.memory_space<vmem>>[vector<16xi32>], vector<16xf32>, vector<16xi1>
      %sub3A_89 = arith.subf %get3A_76, %get3A_72 : vector<16xf32>
      %sub3A_90 = arith.subf %get3A_78, %get3A_74 : vector<16xf32>
      %mul3A_91 = arith.mulf %sub3A_89, %sub3A_90 : vector<16xf32>
      tpu.vector_store_idx %arg14[%sub3A_88], %mul3A_91 masked %gt3A_82 : memref<1280xf32, #tpu.memory_space<vmem>>[vector<16xi32>], vector<16xf32>, vector<16xi1>
      %gt3A_92 = arith.cmpf ogt, %get3A_70, %scan3A_66 : vector<16xf32>
      %and3A = arith.andi %gt3A_82, %gt3A_92 : vector<16xi1>
      %select_n3A = arith.select %and3A, %get3A_70, %scan3A_66 : vector<16xi1>, vector<16xf32>
      %select_n3A_93 = arith.select %and3A, %sub3A_88, %scan3A_67 : vector<16xi1>, vector<16xi32>
      %all_reduce_population_count3A = tpu.all_reduce %gt3A_82 {dim = 0 : i64, kind = #tpu.reduction_kind<sum>} : vector<16xi1> -> vector<16xi32>
      %add3A_94 = arith.addi %scan3A_65, %all_reduce_population_count3A : vector<16xi32>
      scf.yield %add3A_94, %select_n3A, %select_n3A_93 : vector<16xi32>, vector<16xf32>, vector<16xi32>
    }
    %scan3A_10 = arith.constant 80 : i32
    %reduce_max3A = arith.constant true
    %reduce_max3A_11 = vector.broadcast %reduce_max3A : i1 to vector<16xi1>
    %reduce_max3A_12 = arith.constant -2147483648 : i32
    %reduce_max3A_13 = vector.broadcast %reduce_max3A_12 : i32 to vector<16xi32>
    %reduce_max3A_14 = arith.xori %scan3A_9#0, %reduce_max3A_13 : vector<16xi32>
    %reduce_max3A_15 = tpu.scan <max>, %reduce_max3A_14 masked %reduce_max3A_11 : vector<16xi32>, vector<16xi1> -> vector<16xi32>
    %reduce_max3A_16 = arith.xori %reduce_max3A_15, %reduce_max3A_13 : vector<16xi32>
    %reduce_max3A_17 = vector.extract %reduce_max3A_16[15] : i32 from vector<16xi32>
    %eq3A = arith.constant 0 : i32
    %eq3A_18 = arith.cmpi eq, %reduce_max3A_17, %eq3A : i32
    %convert_element_type3A = arith.extui %eq3A_18 : i1 to i32
    %cond3A = arith.constant 0 : i32
    %cond3A_19 = arith.cmpi ne, %convert_element_type3A, %cond3A : i32
    scf.if %cond3A_19 {
      %lt3A_64 = arith.constant 1 : i32
      %lt3A_65 = vector.broadcast %lt3A_64 : i32 to vector<16xi32>
      %lt3A_66 = arith.cmpi slt, %iota3A, %lt3A_65 : vector<16xi32>
      tpu.vector_store_idx %arg9[%iota3A], %broadcast_in_dim3A_1 masked %lt3A_66 : memref<1280xf32, #tpu.memory_space<vmem>>[vector<16xi32>], vector<16xf32>, vector<16xi1>
      %lt3A_67 = arith.constant 1 : i32
      %lt3A_68 = vector.broadcast %lt3A_67 : i32 to vector<16xi32>
      %lt3A_69 = arith.cmpi slt, %iota3A, %lt3A_68 : vector<16xi32>
      tpu.vector_store_idx %arg10[%iota3A], %broadcast_in_dim3A_1 masked %lt3A_69 : memref<1280xf32, #tpu.memory_space<vmem>>[vector<16xi32>], vector<16xf32>, vector<16xi1>
      %lt3A_70 = arith.constant 1 : i32
      %lt3A_71 = vector.broadcast %lt3A_70 : i32 to vector<16xi32>
      %lt3A_72 = arith.cmpi slt, %iota3A, %lt3A_71 : vector<16xi32>
      tpu.vector_store_idx %arg11[%iota3A], %broadcast_in_dim3A_1 masked %lt3A_72 : memref<1280xf32, #tpu.memory_space<vmem>>[vector<16xi32>], vector<16xf32>, vector<16xi1>
      %lt3A_73 = arith.constant 1 : i32
      %lt3A_74 = vector.broadcast %lt3A_73 : i32 to vector<16xi32>
      %lt3A_75 = arith.cmpi slt, %iota3A, %lt3A_74 : vector<16xi32>
      tpu.vector_store_idx %arg12[%iota3A], %broadcast_in_dim3A_1 masked %lt3A_75 : memref<1280xf32, #tpu.memory_space<vmem>>[vector<16xi32>], vector<16xf32>, vector<16xi1>
      %lt3A_76 = arith.constant 1 : i32
      %lt3A_77 = vector.broadcast %lt3A_76 : i32 to vector<16xi32>
      %lt3A_78 = arith.cmpi slt, %iota3A, %lt3A_77 : vector<16xi32>
      tpu.vector_store_idx %arg14[%iota3A], %broadcast_in_dim3A_1 masked %lt3A_78 : memref<1280xf32, #tpu.memory_space<vmem>>[vector<16xi32>], vector<16xf32>, vector<16xi1>
      %lt3A_79 = arith.constant 1 : i32
      %lt3A_80 = vector.broadcast %lt3A_79 : i32 to vector<16xi32>
      %lt3A_81 = arith.cmpi slt, %iota3A, %lt3A_80 : vector<16xi32>
      tpu.vector_store_idx %arg15[%iota3A], %broadcast_in_dim3A_1 masked %lt3A_81 : memref<1280xf32, #tpu.memory_space<vmem>>[vector<16xi32>], vector<16xf32>, vector<16xi1>
    } else {
    }
    %broadcast_in_dim3A_20 = arith.constant -1.000000e+00 : f32
    %broadcast_in_dim3A_21 = vector.broadcast %broadcast_in_dim3A_20 : f32 to vector<16xf32>
    %add3A = arith.constant 0 : i32
    %add3A_22 = vector.broadcast %add3A : i32 to vector<16xi32>
    %add3A_23 = arith.addi %scan3A_9#0, %add3A_22 : vector<16xi32>
    %add3A_24 = arith.addi %add3A_23, %iota3A : vector<16xi32>
    %lt3A = arith.constant 1280 : i32
    %lt3A_25 = vector.broadcast %lt3A : i32 to vector<16xi32>
    %lt3A_26 = arith.cmpi slt, %add3A_24, %lt3A_25 : vector<16xi32>
    tpu.vector_store_idx %arg13[%add3A_24], %broadcast_in_dim3A_21 masked %lt3A_26 : memref<1280xf32, #tpu.memory_space<vmem>>[vector<16xi32>], vector<16xf32>, vector<16xi1>
    %add3A_27 = arith.constant 16 : i32
    %add3A_28 = vector.broadcast %add3A_27 : i32 to vector<16xi32>
    %add3A_29 = arith.addi %scan3A_9#0, %add3A_28 : vector<16xi32>
    %add3A_30 = arith.addi %add3A_29, %iota3A : vector<16xi32>
    %lt3A_31 = arith.constant 1280 : i32
    %lt3A_32 = vector.broadcast %lt3A_31 : i32 to vector<16xi32>
    %lt3A_33 = arith.cmpi slt, %add3A_30, %lt3A_32 : vector<16xi32>
    tpu.vector_store_idx %arg13[%add3A_30], %broadcast_in_dim3A_21 masked %lt3A_33 : memref<1280xf32, #tpu.memory_space<vmem>>[vector<16xi32>], vector<16xf32>, vector<16xi1>
    %add3A_34 = arith.constant 32 : i32
    %add3A_35 = vector.broadcast %add3A_34 : i32 to vector<16xi32>
    %add3A_36 = arith.addi %scan3A_9#0, %add3A_35 : vector<16xi32>
    %add3A_37 = arith.addi %add3A_36, %iota3A : vector<16xi32>
    %lt3A_38 = arith.constant 1280 : i32
    %lt3A_39 = vector.broadcast %lt3A_38 : i32 to vector<16xi32>
    %lt3A_40 = arith.cmpi slt, %add3A_37, %lt3A_39 : vector<16xi32>
    tpu.vector_store_idx %arg13[%add3A_37], %broadcast_in_dim3A_21 masked %lt3A_40 : memref<1280xf32, #tpu.memory_space<vmem>>[vector<16xi32>], vector<16xf32>, vector<16xi1>
    %add3A_41 = arith.constant 48 : i32
    %add3A_42 = vector.broadcast %add3A_41 : i32 to vector<16xi32>
    %add3A_43 = arith.addi %scan3A_9#0, %add3A_42 : vector<16xi32>
    %add3A_44 = arith.addi %add3A_43, %iota3A : vector<16xi32>
    %lt3A_45 = arith.constant 1280 : i32
    %lt3A_46 = vector.broadcast %lt3A_45 : i32 to vector<16xi32>
    %lt3A_47 = arith.cmpi slt, %add3A_44, %lt3A_46 : vector<16xi32>
    tpu.vector_store_idx %arg13[%add3A_44], %broadcast_in_dim3A_21 masked %lt3A_47 : memref<1280xf32, #tpu.memory_space<vmem>>[vector<16xi32>], vector<16xf32>, vector<16xi1>
    %add3A_48 = arith.constant 63 : i32
    %add3A_49 = arith.addi %reduce_max3A_17, %add3A_48 : i32
    %shift_right_arithmetic3A = arith.constant 6 : i32
    %shift_right_arithmetic3A_50 = arith.shrsi %add3A_49, %shift_right_arithmetic3A : i32
    %broadcast_in_dim3A_51 = arith.constant 15 : i32
    %broadcast_in_dim3A_52 = vector.broadcast %broadcast_in_dim3A_51 : i32 to vector<16xi32>
    %scan3A_53 = arith.constant 0 : i32
    %scan3A_54 = arith.constant 300 : i32
    %scan3A_55 = arith.addi %scan3A_53, %scan3A_54 : i32
    %scan3A_56 = arith.constant 1 : i32
    %scan3A_57:2 = scf.for %scan3A_64 = %scan3A_53 to %scan3A_55 step %scan3A_56 iter_args(%scan3A_65 = %scan3A_9#1, %scan3A_66 = %scan3A_9#2) -> (vector<16xf32>, vector<16xi32>)  : i32 {
      %broadcast_in_dim3A_67 = arith.constant true
      %broadcast_in_dim3A_68 = vector.broadcast %broadcast_in_dim3A_67 : i1 to vector<16xi1>
      %masked_cummax3A = tpu.scan <max>, %scan3A_65 masked %broadcast_in_dim3A_68 : vector<16xf32>, vector<16xi1> -> vector<16xf32>
      %broadcast_in_dim3A_69 = vector.shape_cast %broadcast_in_dim3A_52 : vector<16xi32> to vector<16x1xi32>
      %gather3A = vector.shape_cast %broadcast_in_dim3A_69 : vector<16x1xi32> to vector<16xi32>
      %gather3A_70 = tpu.dynamic_gather %masked_cummax3A[%gather3A] in [0] : vector<16xf32>, vector<16xi32> -> vector<16xf32>
      %eq3A_71 = arith.cmpf oeq, %scan3A_65, %gather3A_70 : vector<16xf32>
      %jit3A = arith.constant 1073741824 : i32
      %broadcast_in_dim3A_72 = vector.broadcast %jit3A : i32 to vector<16xi32>
      %select_n3A = arith.select %eq3A_71, %scan3A_66, %broadcast_in_dim3A_72 : vector<16xi1>, vector<16xi32>
      %neg3A = arith.constant 0 : i32
      %neg3A_73 = vector.broadcast %neg3A : i32 to vector<16xi32>
      %neg3A_74 = arith.subi %neg3A_73, %select_n3A : vector<16xi32>
      %broadcast_in_dim3A_75 = arith.constant true
      %broadcast_in_dim3A_76 = vector.broadcast %broadcast_in_dim3A_75 : i1 to vector<16xi1>
      %masked_cummax3A_77 = arith.constant -2147483648 : i32
      %masked_cummax3A_78 = vector.broadcast %masked_cummax3A_77 : i32 to vector<16xi32>
      %masked_cummax3A_79 = arith.xori %neg3A_74, %masked_cummax3A_78 : vector<16xi32>
      %masked_cummax3A_80 = tpu.scan <max>, %masked_cummax3A_79 masked %broadcast_in_dim3A_76 : vector<16xi32>, vector<16xi1> -> vector<16xi32>
      %masked_cummax3A_81 = arith.xori %masked_cummax3A_80, %masked_cummax3A_78 : vector<16xi32>
      %broadcast_in_dim3A_82 = vector.shape_cast %broadcast_in_dim3A_52 : vector<16xi32> to vector<16x1xi32>
      %gather3A_83 = vector.shape_cast %broadcast_in_dim3A_82 : vector<16x1xi32> to vector<16xi32>
      %gather3A_84 = tpu.dynamic_gather %masked_cummax3A_81[%gather3A_83] in [0] : vector<16xi32>, vector<16xi32> -> vector<16xi32>
      %neg3A_85 = arith.constant 0 : i32
      %neg3A_86 = vector.broadcast %neg3A_85 : i32 to vector<16xi32>
      %neg3A_87 = arith.subi %neg3A_86, %gather3A_84 : vector<16xi32>
      %gather3A_88 = tpu.vector_load_idx %arg9[%neg3A_87] : memref<1280xf32, #tpu.memory_space<vmem>>[vector<16xi32>], vector<16xf32>,
      %gather3A_89 = tpu.vector_load_idx %arg10[%neg3A_87] : memref<1280xf32, #tpu.memory_space<vmem>>[vector<16xi32>], vector<16xf32>,
      %gather3A_90 = tpu.vector_load_idx %arg11[%neg3A_87] : memref<1280xf32, #tpu.memory_space<vmem>>[vector<16xi32>], vector<16xf32>,
      %gather3A_91 = tpu.vector_load_idx %arg12[%neg3A_87] : memref<1280xf32, #tpu.memory_space<vmem>>[vector<16xi32>], vector<16xf32>,
      %gather3A_92 = tpu.vector_load_idx %arg14[%neg3A_87] : memref<1280xf32, #tpu.memory_space<vmem>>[vector<16xi32>], vector<16xf32>,
      %gather3A_93 = tpu.vector_load_idx %arg15[%neg3A_87] : memref<1280xf32, #tpu.memory_space<vmem>>[vector<16xi32>], vector<16xf32>,
      %eq3A_94 = arith.constant 1 : i32
      %eq3A_95 = vector.broadcast %eq3A_94 : i32 to vector<16xi32>
      %eq3A_96 = arith.cmpi eq, %iota3A, %eq3A_95 : vector<16xi32>
      %select_n3A_97 = arith.select %eq3A_96, %gather3A_88, %gather3A_70 : vector<16xi1>, vector<16xf32>
      %eq3A_98 = arith.constant 2 : i32
      %eq3A_99 = vector.broadcast %eq3A_98 : i32 to vector<16xi32>
      %eq3A_100 = arith.cmpi eq, %iota3A, %eq3A_99 : vector<16xi32>
      %select_n3A_101 = arith.select %eq3A_100, %gather3A_89, %select_n3A_97 : vector<16xi1>, vector<16xf32>
      %eq3A_102 = arith.constant 3 : i32
      %eq3A_103 = vector.broadcast %eq3A_102 : i32 to vector<16xi32>
      %eq3A_104 = arith.cmpi eq, %iota3A, %eq3A_103 : vector<16xi32>
      %select_n3A_105 = arith.select %eq3A_104, %gather3A_90, %select_n3A_101 : vector<16xi1>, vector<16xf32>
      %eq3A_106 = arith.constant 4 : i32
      %eq3A_107 = vector.broadcast %eq3A_106 : i32 to vector<16xi32>
      %eq3A_108 = arith.cmpi eq, %iota3A, %eq3A_107 : vector<16xi32>
      %select_n3A_109 = arith.select %eq3A_108, %gather3A_91, %select_n3A_105 : vector<16xi1>, vector<16xf32>
      %eq3A_110 = arith.constant 5 : i32
      %eq3A_111 = vector.broadcast %eq3A_110 : i32 to vector<16xi32>
      %eq3A_112 = arith.cmpi eq, %iota3A, %eq3A_111 : vector<16xi32>
      %select_n3A_113 = arith.select %eq3A_112, %gather3A_92, %select_n3A_109 : vector<16xi1>, vector<16xf32>
      %eq3A_114 = arith.constant 6 : i32
      %eq3A_115 = vector.broadcast %eq3A_114 : i32 to vector<16xi32>
      %eq3A_116 = arith.cmpi eq, %iota3A, %eq3A_115 : vector<16xi32>
      %select_n3A_117 = arith.select %eq3A_116, %gather3A_93, %select_n3A_113 : vector<16xi1>, vector<16xf32>
      %swap3A = arith.constant 0 : index
      %swap3A_118 = tpu.vector_load %arg16[%swap3A] {strides = array<i32>} : memref<16xf32, #tpu.memory_space<vmem>>, vector<16xf32>,
      tpu.vector_store %arg16[%swap3A], %select_n3A_117 {strides = array<i32>} : memref<16xf32, #tpu.memory_space<vmem>>, vector<16xf32>,
      %and3A = arith.constant 1 : i32
      %and3A_119 = arith.andi %scan3A_64, %and3A : i32
      %mul3A_120 = arith.constant 256 : i32
      %mul3A_121 = arith.muli %and3A_119, %mul3A_120 : i32
      %mul3A_122 = arith.constant 16 : i32
      %mul3A_123 = arith.muli %arg1, %mul3A_122 : i32
      %add3A_124 = arith.addi %mul3A_121, %mul3A_123 : i32
      "tpu.region"() ({
        %run_scoped3A = tpu.sem_alloc : memref<!tpu.dma_semaphore, #tpu.memory_space<semaphore_mem>>
        %dma_start3A = tpu.memref_slice %arg19[%add3A_124] : memref<512xf32, #tpu.memory_space<vmem_shared>> -> memref<16xf32, #tpu.memory_space<vmem_shared>>
        %dma_start3A_196 = tpu.memref_slice %arg19[%add3A_124] : memref<512xf32, #tpu.memory_space<vmem_shared>> -> memref<16xf32, #tpu.memory_space<vmem_shared>>
        tpu.enqueue_dma source(%arg16 : memref<16xf32, #tpu.memory_space<vmem>>) target(%dma_start3A_196 : memref<16xf32, #tpu.memory_space<vmem_shared>>) target_semaphore(%run_scoped3A : memref<!tpu.dma_semaphore, #tpu.memory_space<semaphore_mem>>)
        %dma_wait3A = tpu.memref_slice %arg19[%add3A_124] : memref<512xf32, #tpu.memory_space<vmem_shared>> -> memref<16xf32, #tpu.memory_space<vmem_shared>>
        %dma_wait3A_197 = tpu.memref_slice %arg19[%add3A_124] : memref<512xf32, #tpu.memory_space<vmem_shared>> -> memref<16xf32, #tpu.memory_space<vmem_shared>>
        tpu.wait_dma2 semaphore(%run_scoped3A : memref<!tpu.dma_semaphore, #tpu.memory_space<semaphore_mem>>) src(%arg16 : memref<16xf32, #tpu.memory_space<vmem>>) dst(%dma_wait3A_197 : memref<16xf32, #tpu.memory_space<vmem_shared>>)
        tpu.yield
      }) : () -> ()
      %barrier3A = arith.constant 0 : index
      tpu.barrier barrier_id(%barrier3A)
      "tpu.region"() ({
        %run_scoped3A = tpu.sem_alloc : memref<!tpu.dma_semaphore, #tpu.memory_space<semaphore_mem>>
        %dma_start3A = tpu.memref_slice %arg19[%mul3A_121] : memref<512xf32, #tpu.memory_space<vmem_shared>> -> memref<256xf32, #tpu.memory_space<vmem_shared>>
        %dma_start3A_196 = tpu.memref_slice %arg19[%mul3A_121] : memref<512xf32, #tpu.memory_space<vmem_shared>> -> memref<256xf32, #tpu.memory_space<vmem_shared>>
        tpu.enqueue_dma source(%dma_start3A_196 : memref<256xf32, #tpu.memory_space<vmem_shared>>) target(%arg17 : memref<256xf32, #tpu.memory_space<vmem>>) target_semaphore(%run_scoped3A : memref<!tpu.dma_semaphore, #tpu.memory_space<semaphore_mem>>)
        %dma_wait3A = tpu.memref_slice %arg19[%mul3A_121] : memref<512xf32, #tpu.memory_space<vmem_shared>> -> memref<256xf32, #tpu.memory_space<vmem_shared>>
        %dma_wait3A_197 = tpu.memref_slice %arg19[%mul3A_121] : memref<512xf32, #tpu.memory_space<vmem_shared>> -> memref<256xf32, #tpu.memory_space<vmem_shared>>
        tpu.wait_dma2 semaphore(%run_scoped3A : memref<!tpu.dma_semaphore, #tpu.memory_space<semaphore_mem>>) src(%dma_wait3A_197 : memref<256xf32, #tpu.memory_space<vmem_shared>>) dst(%arg17 : memref<256xf32, #tpu.memory_space<vmem>>)
        tpu.yield
      }) : () -> ()
      %mul3A_125 = arith.constant 16 : i32
      %mul3A_126 = vector.broadcast %mul3A_125 : i32 to vector<16xi32>
      %mul3A_127 = arith.muli %iota3A, %mul3A_126 : vector<16xi32>
      %gather3A_128 = tpu.vector_load_idx %arg17[%mul3A_127] : memref<256xf32, #tpu.memory_space<vmem>>[vector<16xi32>], vector<16xf32>,
      %broadcast_in_dim3A_129 = arith.constant true
      %broadcast_in_dim3A_130 = vector.broadcast %broadcast_in_dim3A_129 : i1 to vector<16xi1>
      %masked_cummax3A_131 = tpu.scan <max>, %gather3A_128 masked %broadcast_in_dim3A_130 : vector<16xf32>, vector<16xi1> -> vector<16xf32>
      %broadcast_in_dim3A_132 = vector.shape_cast %broadcast_in_dim3A_52 : vector<16xi32> to vector<16x1xi32>
      %gather3A_133 = vector.shape_cast %broadcast_in_dim3A_132 : vector<16x1xi32> to vector<16xi32>
      %gather3A_134 = tpu.dynamic_gather %masked_cummax3A_131[%gather3A_133] in [0] : vector<16xf32>, vector<16xi32> -> vector<16xf32>
      %eq3A_135 = arith.cmpf oeq, %gather3A_128, %gather3A_134 : vector<16xf32>
      %jit3A_136 = arith.constant 15 : i32
      %broadcast_in_dim3A_137 = vector.broadcast %jit3A_136 : i32 to vector<16xi32>
      %select_n3A_138 = arith.select %eq3A_135, %iota3A, %broadcast_in_dim3A_137 : vector<16xi1>, vector<16xi32>
      %neg3A_139 = arith.constant 0 : i32
      %neg3A_140 = vector.broadcast %neg3A_139 : i32 to vector<16xi32>
      %neg3A_141 = arith.subi %neg3A_140, %select_n3A_138 : vector<16xi32>
      %broadcast_in_dim3A_142 = arith.constant true
      %broadcast_in_dim3A_143 = vector.broadcast %broadcast_in_dim3A_142 : i1 to vector<16xi1>
      %masked_cummax3A_144 = arith.constant -2147483648 : i32
      %masked_cummax3A_145 = vector.broadcast %masked_cummax3A_144 : i32 to vector<16xi32>
      %masked_cummax3A_146 = arith.xori %neg3A_141, %masked_cummax3A_145 : vector<16xi32>
      %masked_cummax3A_147 = tpu.scan <max>, %masked_cummax3A_146 masked %broadcast_in_dim3A_143 : vector<16xi32>, vector<16xi1> -> vector<16xi32>
      %masked_cummax3A_148 = arith.xori %masked_cummax3A_147, %masked_cummax3A_145 : vector<16xi32>
      %broadcast_in_dim3A_149 = vector.shape_cast %broadcast_in_dim3A_52 : vector<16xi32> to vector<16x1xi32>
      %gather3A_150 = vector.shape_cast %broadcast_in_dim3A_149 : vector<16x1xi32> to vector<16xi32>
      %gather3A_151 = tpu.dynamic_gather %masked_cummax3A_148[%gather3A_150] in [0] : vector<16xi32>, vector<16xi32> -> vector<16xi32>
      %neg3A_152 = arith.constant 0 : i32
      %neg3A_153 = vector.broadcast %neg3A_152 : i32 to vector<16xi32>
      %neg3A_154 = arith.subi %neg3A_153, %gather3A_151 : vector<16xi32>
      %mul3A_155 = arith.constant 16 : i32
      %mul3A_156 = vector.broadcast %mul3A_155 : i32 to vector<16xi32>
      %mul3A_157 = arith.muli %neg3A_154, %mul3A_156 : vector<16xi32>
      %add3A_158 = arith.constant 1 : i32
      %add3A_159 = vector.broadcast %add3A_158 : i32 to vector<16xi32>
      %add3A_160 = arith.addi %mul3A_157, %add3A_159 : vector<16xi32>
      %gather3A_161 = tpu.vector_load_idx %arg17[%add3A_160] : memref<256xf32, #tpu.memory_space<vmem>>[vector<16xi32>], vector<16xf32>,
      %add3A_162 = arith.constant 2 : i32
      %add3A_163 = vector.broadcast %add3A_162 : i32 to vector<16xi32>
      %add3A_164 = arith.addi %mul3A_157, %add3A_163 : vector<16xi32>
      %gather3A_165 = tpu.vector_load_idx %arg17[%add3A_164] : memref<256xf32, #tpu.memory_space<vmem>>[vector<16xi32>], vector<16xf32>,
      %add3A_166 = arith.constant 3 : i32
      %add3A_167 = vector.broadcast %add3A_166 : i32 to vector<16xi32>
      %add3A_168 = arith.addi %mul3A_157, %add3A_167 : vector<16xi32>
      %gather3A_169 = tpu.vector_load_idx %arg17[%add3A_168] : memref<256xf32, #tpu.memory_space<vmem>>[vector<16xi32>], vector<16xf32>,
      %add3A_170 = arith.constant 4 : i32
      %add3A_171 = vector.broadcast %add3A_170 : i32 to vector<16xi32>
      %add3A_172 = arith.addi %mul3A_157, %add3A_171 : vector<16xi32>
      %gather3A_173 = tpu.vector_load_idx %arg17[%add3A_172] : memref<256xf32, #tpu.memory_space<vmem>>[vector<16xi32>], vector<16xf32>,
      %add3A_174 = arith.constant 5 : i32
      %add3A_175 = vector.broadcast %add3A_174 : i32 to vector<16xi32>
      %add3A_176 = arith.addi %mul3A_157, %add3A_175 : vector<16xi32>
      %gather3A_177 = tpu.vector_load_idx %arg17[%add3A_176] : memref<256xf32, #tpu.memory_space<vmem>>[vector<16xi32>], vector<16xf32>,
      %add3A_178 = arith.constant 6 : i32
      %add3A_179 = vector.broadcast %add3A_178 : i32 to vector<16xi32>
      %add3A_180 = arith.addi %mul3A_157, %add3A_179 : vector<16xi32>
      %gather3A_181 = tpu.vector_load_idx %arg17[%add3A_180] : memref<256xf32, #tpu.memory_space<vmem>>[vector<16xi32>], vector<16xf32>,
      %gt3A = arith.constant 0.000000e+00 : f32
      %gt3A_182 = vector.broadcast %gt3A : f32 to vector<16xf32>
      %gt3A_183 = arith.cmpf ogt, %gather3A_134, %gt3A_182 : vector<16xf32>
      %jit3A_184 = arith.constant 1.000000e+00 : f32
      %jit3A_185 = arith.constant 0.000000e+00 : f32
      %broadcast_in_dim3A_186 = vector.broadcast %jit3A_184 : f32 to vector<16xf32>
      %broadcast_in_dim3A_187 = vector.broadcast %jit3A_185 : f32 to vector<16xf32>
      %select_n3A_188 = arith.select %gt3A_183, %broadcast_in_dim3A_186, %broadcast_in_dim3A_187 : vector<16xi1>, vector<16xf32>
      %parallel_loop3A = arith.constant 0 : i32
      %parallel_loop3A_189 = arith.constant 1 : i32
      %parallel_loop3A_190:2 = scf.for %parallel_loop3A_196 = %parallel_loop3A to %shift_right_arithmetic3A_50 step %parallel_loop3A_189 iter_args(%parallel_loop3A_197 = %broadcast_in_dim3A_3, %parallel_loop3A_198 = %broadcast_in_dim3A_5) -> (vector<16xf32>, vector<16xi32>)  : i32 {
        %parallel_loop3A_199 = arith.constant 64 : i32
        %parallel_loop3A_200 = arith.muli %parallel_loop3A_196, %parallel_loop3A_199 : i32
        %parallel_loop3A_201 = arith.constant 0 : i32
        %parallel_loop3A_202 = arith.addi %parallel_loop3A_200, %parallel_loop3A_201 : i32
        %parallel_loop3A_203 = arith.index_cast %parallel_loop3A_202 : i32 to index
        %parallel_loop3A_204 = tpu.vector_load %arg9[%parallel_loop3A_203] {strides = array<i32>} : memref<1280xf32, #tpu.memory_space<vmem>>, vector<16xf32>,
        %parallel_loop3A_205 = arith.maximumf %gather3A_161, %parallel_loop3A_204 : vector<16xf32>
        %parallel_loop3A_206 = arith.index_cast %parallel_loop3A_202 : i32 to index
        %parallel_loop3A_207 = tpu.vector_load %arg10[%parallel_loop3A_206] {strides = array<i32>} : memref<1280xf32, #tpu.memory_space<vmem>>, vector<16xf32>,
        %parallel_loop3A_208 = arith.maximumf %gather3A_165, %parallel_loop3A_207 : vector<16xf32>
        %parallel_loop3A_209 = arith.index_cast %parallel_loop3A_202 : i32 to index
        %parallel_loop3A_210 = tpu.vector_load %arg11[%parallel_loop3A_209] {strides = array<i32>} : memref<1280xf32, #tpu.memory_space<vmem>>, vector<16xf32>,
        %parallel_loop3A_211 = arith.minimumf %gather3A_169, %parallel_loop3A_210 : vector<16xf32>
        %parallel_loop3A_212 = arith.index_cast %parallel_loop3A_202 : i32 to index
        %parallel_loop3A_213 = tpu.vector_load %arg12[%parallel_loop3A_212] {strides = array<i32>} : memref<1280xf32, #tpu.memory_space<vmem>>, vector<16xf32>,
        %parallel_loop3A_214 = arith.minimumf %gather3A_173, %parallel_loop3A_213 : vector<16xf32>
        %parallel_loop3A_215 = arith.subf %parallel_loop3A_211, %parallel_loop3A_205 : vector<16xf32>
        %parallel_loop3A_216 = arith.constant 0.000000e+00 : f32
        %parallel_loop3A_217 = vector.broadcast %parallel_loop3A_216 : f32 to vector<16xf32>
        %parallel_loop3A_218 = arith.maximumf %parallel_loop3A_215, %parallel_loop3A_217 : vector<16xf32>
        %parallel_loop3A_219 = arith.subf %parallel_loop3A_214, %parallel_loop3A_208 : vector<16xf32>
        %parallel_loop3A_220 = arith.constant 0.000000e+00 : f32
        %parallel_loop3A_221 = vector.broadcast %parallel_loop3A_220 : f32 to vector<16xf32>
        %parallel_loop3A_222 = arith.maximumf %parallel_loop3A_219, %parallel_loop3A_221 : vector<16xf32>
        %parallel_loop3A_223 = arith.mulf %parallel_loop3A_218, %parallel_loop3A_222 : vector<16xf32>
        %parallel_loop3A_224 = arith.index_cast %parallel_loop3A_202 : i32 to index
        %parallel_loop3A_225 = tpu.vector_load %arg14[%parallel_loop3A_224] {strides = array<i32>} : memref<1280xf32, #tpu.memory_space<vmem>>, vector<16xf32>,
        %parallel_loop3A_226 = arith.addf %gather3A_177, %parallel_loop3A_225 : vector<16xf32>
        %parallel_loop3A_227 = arith.subf %parallel_loop3A_226, %parallel_loop3A_223 : vector<16xf32>
        %parallel_loop3A_228 = arith.constant 9.99999971E-10 : f32
        %parallel_loop3A_229 = vector.broadcast %parallel_loop3A_228 : f32 to vector<16xf32>
        %parallel_loop3A_230 = arith.addf %parallel_loop3A_227, %parallel_loop3A_229 : vector<16xf32>
        %parallel_loop3A_231 = arith.divf %parallel_loop3A_223, %parallel_loop3A_230 : vector<16xf32>
        %parallel_loop3A_232 = arith.constant 4.500000e-01 : f32
        %parallel_loop3A_233 = vector.broadcast %parallel_loop3A_232 : f32 to vector<16xf32>
        %parallel_loop3A_234 = arith.cmpf ogt, %parallel_loop3A_231, %parallel_loop3A_233 : vector<16xf32>
        %parallel_loop3A_235 = arith.index_cast %parallel_loop3A_202 : i32 to index
        %parallel_loop3A_236 = tpu.vector_load %arg13[%parallel_loop3A_235] {strides = array<i32>} : memref<1280xf32, #tpu.memory_space<vmem>>, vector<16xf32>,
        %parallel_loop3A_237 = arith.constant -1.000000e+00 : f32
        %parallel_loop3A_238 = vector.broadcast %parallel_loop3A_237 : f32 to vector<16xf32>
        %parallel_loop3A_239 = arith.select %parallel_loop3A_234, %parallel_loop3A_238, %parallel_loop3A_236 : vector<16xi1>, vector<16xf32>
        %parallel_loop3A_240 = arith.index_cast %parallel_loop3A_202 : i32 to index
        %parallel_loop3A_241 = tpu.vector_load %arg13[%parallel_loop3A_240] {strides = array<i32>} : memref<1280xf32, #tpu.memory_space<vmem>>, vector<16xf32>,
        tpu.vector_store %arg13[%parallel_loop3A_240], %parallel_loop3A_239 {strides = array<i32>} : memref<1280xf32, #tpu.memory_space<vmem>>, vector<16xf32>,
        %parallel_loop3A_242 = arith.constant 64 : i32
        %parallel_loop3A_243 = arith.muli %parallel_loop3A_196, %parallel_loop3A_242 : i32
        %parallel_loop3A_244 = arith.constant 0 : i32
        %parallel_loop3A_245 = arith.addi %parallel_loop3A_243, %parallel_loop3A_244 : i32
        %parallel_loop3A_246 = vector.broadcast %parallel_loop3A_245 : i32 to vector<16xi32>
        %parallel_loop3A_247 = arith.addi %parallel_loop3A_246, %iota3A : vector<16xi32>
        %parallel_loop3A_248 = arith.cmpf ogt, %parallel_loop3A_239, %parallel_loop3A_197 : vector<16xf32>
        %parallel_loop3A_249 = arith.select %parallel_loop3A_248, %parallel_loop3A_239, %parallel_loop3A_197 : vector<16xi1>, vector<16xf32>
        %parallel_loop3A_250 = arith.select %parallel_loop3A_248, %parallel_loop3A_247, %parallel_loop3A_198 : vector<16xi1>, vector<16xi32>
        %parallel_loop3A_251 = arith.constant 64 : i32
        %parallel_loop3A_252 = arith.muli %parallel_loop3A_196, %parallel_loop3A_251 : i32
        %parallel_loop3A_253 = arith.constant 16 : i32
        %parallel_loop3A_254 = arith.addi %parallel_loop3A_252, %parallel_loop3A_253 : i32
        %parallel_loop3A_255 = arith.index_cast %parallel_loop3A_254 : i32 to index
        %parallel_loop3A_256 = tpu.vector_load %arg9[%parallel_loop3A_255] {strides = array<i32>} : memref<1280xf32, #tpu.memory_space<vmem>>, vector<16xf32>,
        %parallel_loop3A_257 = arith.maximumf %gather3A_161, %parallel_loop3A_256 : vector<16xf32>
        %parallel_loop3A_258 = arith.index_cast %parallel_loop3A_254 : i32 to index
        %parallel_loop3A_259 = tpu.vector_load %arg10[%parallel_loop3A_258] {strides = array<i32>} : memref<1280xf32, #tpu.memory_space<vmem>>, vector<16xf32>,
        %parallel_loop3A_260 = arith.maximumf %gather3A_165, %parallel_loop3A_259 : vector<16xf32>
        %parallel_loop3A_261 = arith.index_cast %parallel_loop3A_254 : i32 to index
        %parallel_loop3A_262 = tpu.vector_load %arg11[%parallel_loop3A_261] {strides = array<i32>} : memref<1280xf32, #tpu.memory_space<vmem>>, vector<16xf32>,
        %parallel_loop3A_263 = arith.minimumf %gather3A_169, %parallel_loop3A_262 : vector<16xf32>
        %parallel_loop3A_264 = arith.index_cast %parallel_loop3A_254 : i32 to index
        %parallel_loop3A_265 = tpu.vector_load %arg12[%parallel_loop3A_264] {strides = array<i32>} : memref<1280xf32, #tpu.memory_space<vmem>>, vector<16xf32>,
        %parallel_loop3A_266 = arith.minimumf %gather3A_173, %parallel_loop3A_265 : vector<16xf32>
        %parallel_loop3A_267 = arith.subf %parallel_loop3A_263, %parallel_loop3A_257 : vector<16xf32>
        %parallel_loop3A_268 = arith.constant 0.000000e+00 : f32
        %parallel_loop3A_269 = vector.broadcast %parallel_loop3A_268 : f32 to vector<16xf32>
        %parallel_loop3A_270 = arith.maximumf %parallel_loop3A_267, %parallel_loop3A_269 : vector<16xf32>
        %parallel_loop3A_271 = arith.subf %parallel_loop3A_266, %parallel_loop3A_260 : vector<16xf32>
        %parallel_loop3A_272 = arith.constant 0.000000e+00 : f32
        %parallel_loop3A_273 = vector.broadcast %parallel_loop3A_272 : f32 to vector<16xf32>
        %parallel_loop3A_274 = arith.maximumf %parallel_loop3A_271, %parallel_loop3A_273 : vector<16xf32>
        %parallel_loop3A_275 = arith.mulf %parallel_loop3A_270, %parallel_loop3A_274 : vector<16xf32>
        %parallel_loop3A_276 = arith.index_cast %parallel_loop3A_254 : i32 to index
        %parallel_loop3A_277 = tpu.vector_load %arg14[%parallel_loop3A_276] {strides = array<i32>} : memref<1280xf32, #tpu.memory_space<vmem>>, vector<16xf32>,
        %parallel_loop3A_278 = arith.addf %gather3A_177, %parallel_loop3A_277 : vector<16xf32>
        %parallel_loop3A_279 = arith.subf %parallel_loop3A_278, %parallel_loop3A_275 : vector<16xf32>
        %parallel_loop3A_280 = arith.constant 9.99999971E-10 : f32
        %parallel_loop3A_281 = vector.broadcast %parallel_loop3A_280 : f32 to vector<16xf32>
        %parallel_loop3A_282 = arith.addf %parallel_loop3A_279, %parallel_loop3A_281 : vector<16xf32>
        %parallel_loop3A_283 = arith.divf %parallel_loop3A_275, %parallel_loop3A_282 : vector<16xf32>
        %parallel_loop3A_284 = arith.constant 4.500000e-01 : f32
        %parallel_loop3A_285 = vector.broadcast %parallel_loop3A_284 : f32 to vector<16xf32>
        %parallel_loop3A_286 = arith.cmpf ogt, %parallel_loop3A_283, %parallel_loop3A_285 : vector<16xf32>
        %parallel_loop3A_287 = arith.index_cast %parallel_loop3A_254 : i32 to index
        %parallel_loop3A_288 = tpu.vector_load %arg13[%parallel_loop3A_287] {strides = array<i32>} : memref<1280xf32, #tpu.memory_space<vmem>>, vector<16xf32>,
        %parallel_loop3A_289 = arith.constant -1.000000e+00 : f32
        %parallel_loop3A_290 = vector.broadcast %parallel_loop3A_289 : f32 to vector<16xf32>
        %parallel_loop3A_291 = arith.select %parallel_loop3A_286, %parallel_loop3A_290, %parallel_loop3A_288 : vector<16xi1>, vector<16xf32>
        %parallel_loop3A_292 = arith.index_cast %parallel_loop3A_254 : i32 to index
        %parallel_loop3A_293 = tpu.vector_load %arg13[%parallel_loop3A_292] {strides = array<i32>} : memref<1280xf32, #tpu.memory_space<vmem>>, vector<16xf32>,
        tpu.vector_store %arg13[%parallel_loop3A_292], %parallel_loop3A_291 {strides = array<i32>} : memref<1280xf32, #tpu.memory_space<vmem>>, vector<16xf32>,
        %parallel_loop3A_294 = arith.constant 64 : i32
        %parallel_loop3A_295 = arith.muli %parallel_loop3A_196, %parallel_loop3A_294 : i32
        %parallel_loop3A_296 = arith.constant 16 : i32
        %parallel_loop3A_297 = arith.addi %parallel_loop3A_295, %parallel_loop3A_296 : i32
        %parallel_loop3A_298 = vector.broadcast %parallel_loop3A_297 : i32 to vector<16xi32>
        %parallel_loop3A_299 = arith.addi %parallel_loop3A_298, %iota3A : vector<16xi32>
        %parallel_loop3A_300 = arith.cmpf ogt, %parallel_loop3A_291, %parallel_loop3A_249 : vector<16xf32>
        %parallel_loop3A_301 = arith.select %parallel_loop3A_300, %parallel_loop3A_291, %parallel_loop3A_249 : vector<16xi1>, vector<16xf32>
        %parallel_loop3A_302 = arith.select %parallel_loop3A_300, %parallel_loop3A_299, %parallel_loop3A_250 : vector<16xi1>, vector<16xi32>
        %parallel_loop3A_303 = arith.constant 64 : i32
        %parallel_loop3A_304 = arith.muli %parallel_loop3A_196, %parallel_loop3A_303 : i32
        %parallel_loop3A_305 = arith.constant 32 : i32
        %parallel_loop3A_306 = arith.addi %parallel_loop3A_304, %parallel_loop3A_305 : i32
        %parallel_loop3A_307 = arith.index_cast %parallel_loop3A_306 : i32 to index
        %parallel_loop3A_308 = tpu.vector_load %arg9[%parallel_loop3A_307] {strides = array<i32>} : memref<1280xf32, #tpu.memory_space<vmem>>, vector<16xf32>,
        %parallel_loop3A_309 = arith.maximumf %gather3A_161, %parallel_loop3A_308 : vector<16xf32>
        %parallel_loop3A_310 = arith.index_cast %parallel_loop3A_306 : i32 to index
        %parallel_loop3A_311 = tpu.vector_load %arg10[%parallel_loop3A_310] {strides = array<i32>} : memref<1280xf32, #tpu.memory_space<vmem>>, vector<16xf32>,
        %parallel_loop3A_312 = arith.maximumf %gather3A_165, %parallel_loop3A_311 : vector<16xf32>
        %parallel_loop3A_313 = arith.index_cast %parallel_loop3A_306 : i32 to index
        %parallel_loop3A_314 = tpu.vector_load %arg11[%parallel_loop3A_313] {strides = array<i32>} : memref<1280xf32, #tpu.memory_space<vmem>>, vector<16xf32>,
        %parallel_loop3A_315 = arith.minimumf %gather3A_169, %parallel_loop3A_314 : vector<16xf32>
        %parallel_loop3A_316 = arith.index_cast %parallel_loop3A_306 : i32 to index
        %parallel_loop3A_317 = tpu.vector_load %arg12[%parallel_loop3A_316] {strides = array<i32>} : memref<1280xf32, #tpu.memory_space<vmem>>, vector<16xf32>,
        %parallel_loop3A_318 = arith.minimumf %gather3A_173, %parallel_loop3A_317 : vector<16xf32>
        %parallel_loop3A_319 = arith.subf %parallel_loop3A_315, %parallel_loop3A_309 : vector<16xf32>
        %parallel_loop3A_320 = arith.constant 0.000000e+00 : f32
        %parallel_loop3A_321 = vector.broadcast %parallel_loop3A_320 : f32 to vector<16xf32>
        %parallel_loop3A_322 = arith.maximumf %parallel_loop3A_319, %parallel_loop3A_321 : vector<16xf32>
        %parallel_loop3A_323 = arith.subf %parallel_loop3A_318, %parallel_loop3A_312 : vector<16xf32>
        %parallel_loop3A_324 = arith.constant 0.000000e+00 : f32
        %parallel_loop3A_325 = vector.broadcast %parallel_loop3A_324 : f32 to vector<16xf32>
        %parallel_loop3A_326 = arith.maximumf %parallel_loop3A_323, %parallel_loop3A_325 : vector<16xf32>
        %parallel_loop3A_327 = arith.mulf %parallel_loop3A_322, %parallel_loop3A_326 : vector<16xf32>
        %parallel_loop3A_328 = arith.index_cast %parallel_loop3A_306 : i32 to index
        %parallel_loop3A_329 = tpu.vector_load %arg14[%parallel_loop3A_328] {strides = array<i32>} : memref<1280xf32, #tpu.memory_space<vmem>>, vector<16xf32>,
        %parallel_loop3A_330 = arith.addf %gather3A_177, %parallel_loop3A_329 : vector<16xf32>
        %parallel_loop3A_331 = arith.subf %parallel_loop3A_330, %parallel_loop3A_327 : vector<16xf32>
        %parallel_loop3A_332 = arith.constant 9.99999971E-10 : f32
        %parallel_loop3A_333 = vector.broadcast %parallel_loop3A_332 : f32 to vector<16xf32>
        %parallel_loop3A_334 = arith.addf %parallel_loop3A_331, %parallel_loop3A_333 : vector<16xf32>
        %parallel_loop3A_335 = arith.divf %parallel_loop3A_327, %parallel_loop3A_334 : vector<16xf32>
        %parallel_loop3A_336 = arith.constant 4.500000e-01 : f32
        %parallel_loop3A_337 = vector.broadcast %parallel_loop3A_336 : f32 to vector<16xf32>
        %parallel_loop3A_338 = arith.cmpf ogt, %parallel_loop3A_335, %parallel_loop3A_337 : vector<16xf32>
        %parallel_loop3A_339 = arith.index_cast %parallel_loop3A_306 : i32 to index
        %parallel_loop3A_340 = tpu.vector_load %arg13[%parallel_loop3A_339] {strides = array<i32>} : memref<1280xf32, #tpu.memory_space<vmem>>, vector<16xf32>,
        %parallel_loop3A_341 = arith.constant -1.000000e+00 : f32
        %parallel_loop3A_342 = vector.broadcast %parallel_loop3A_341 : f32 to vector<16xf32>
        %parallel_loop3A_343 = arith.select %parallel_loop3A_338, %parallel_loop3A_342, %parallel_loop3A_340 : vector<16xi1>, vector<16xf32>
        %parallel_loop3A_344 = arith.index_cast %parallel_loop3A_306 : i32 to index
        %parallel_loop3A_345 = tpu.vector_load %arg13[%parallel_loop3A_344] {strides = array<i32>} : memref<1280xf32, #tpu.memory_space<vmem>>, vector<16xf32>,
        tpu.vector_store %arg13[%parallel_loop3A_344], %parallel_loop3A_343 {strides = array<i32>} : memref<1280xf32, #tpu.memory_space<vmem>>, vector<16xf32>,
        %parallel_loop3A_346 = arith.constant 64 : i32
        %parallel_loop3A_347 = arith.muli %parallel_loop3A_196, %parallel_loop3A_346 : i32
        %parallel_loop3A_348 = arith.constant 32 : i32
        %parallel_loop3A_349 = arith.addi %parallel_loop3A_347, %parallel_loop3A_348 : i32
        %parallel_loop3A_350 = vector.broadcast %parallel_loop3A_349 : i32 to vector<16xi32>
        %parallel_loop3A_351 = arith.addi %parallel_loop3A_350, %iota3A : vector<16xi32>
        %parallel_loop3A_352 = arith.cmpf ogt, %parallel_loop3A_343, %parallel_loop3A_301 : vector<16xf32>
        %parallel_loop3A_353 = arith.select %parallel_loop3A_352, %parallel_loop3A_343, %parallel_loop3A_301 : vector<16xi1>, vector<16xf32>
        %parallel_loop3A_354 = arith.select %parallel_loop3A_352, %parallel_loop3A_351, %parallel_loop3A_302 : vector<16xi1>, vector<16xi32>
        %parallel_loop3A_355 = arith.constant 64 : i32
        %parallel_loop3A_356 = arith.muli %parallel_loop3A_196, %parallel_loop3A_355 : i32
        %parallel_loop3A_357 = arith.constant 48 : i32
        %parallel_loop3A_358 = arith.addi %parallel_loop3A_356, %parallel_loop3A_357 : i32
        %parallel_loop3A_359 = arith.index_cast %parallel_loop3A_358 : i32 to index
        %parallel_loop3A_360 = tpu.vector_load %arg9[%parallel_loop3A_359] {strides = array<i32>} : memref<1280xf32, #tpu.memory_space<vmem>>, vector<16xf32>,
        %parallel_loop3A_361 = arith.maximumf %gather3A_161, %parallel_loop3A_360 : vector<16xf32>
        %parallel_loop3A_362 = arith.index_cast %parallel_loop3A_358 : i32 to index
        %parallel_loop3A_363 = tpu.vector_load %arg10[%parallel_loop3A_362] {strides = array<i32>} : memref<1280xf32, #tpu.memory_space<vmem>>, vector<16xf32>,
        %parallel_loop3A_364 = arith.maximumf %gather3A_165, %parallel_loop3A_363 : vector<16xf32>
        %parallel_loop3A_365 = arith.index_cast %parallel_loop3A_358 : i32 to index
        %parallel_loop3A_366 = tpu.vector_load %arg11[%parallel_loop3A_365] {strides = array<i32>} : memref<1280xf32, #tpu.memory_space<vmem>>, vector<16xf32>,
        %parallel_loop3A_367 = arith.minimumf %gather3A_169, %parallel_loop3A_366 : vector<16xf32>
        %parallel_loop3A_368 = arith.index_cast %parallel_loop3A_358 : i32 to index
        %parallel_loop3A_369 = tpu.vector_load %arg12[%parallel_loop3A_368] {strides = array<i32>} : memref<1280xf32, #tpu.memory_space<vmem>>, vector<16xf32>,
        %parallel_loop3A_370 = arith.minimumf %gather3A_173, %parallel_loop3A_369 : vector<16xf32>
        %parallel_loop3A_371 = arith.subf %parallel_loop3A_367, %parallel_loop3A_361 : vector<16xf32>
        %parallel_loop3A_372 = arith.constant 0.000000e+00 : f32
        %parallel_loop3A_373 = vector.broadcast %parallel_loop3A_372 : f32 to vector<16xf32>
        %parallel_loop3A_374 = arith.maximumf %parallel_loop3A_371, %parallel_loop3A_373 : vector<16xf32>
        %parallel_loop3A_375 = arith.subf %parallel_loop3A_370, %parallel_loop3A_364 : vector<16xf32>
        %parallel_loop3A_376 = arith.constant 0.000000e+00 : f32
        %parallel_loop3A_377 = vector.broadcast %parallel_loop3A_376 : f32 to vector<16xf32>
        %parallel_loop3A_378 = arith.maximumf %parallel_loop3A_375, %parallel_loop3A_377 : vector<16xf32>
        %parallel_loop3A_379 = arith.mulf %parallel_loop3A_374, %parallel_loop3A_378 : vector<16xf32>
        %parallel_loop3A_380 = arith.index_cast %parallel_loop3A_358 : i32 to index
        %parallel_loop3A_381 = tpu.vector_load %arg14[%parallel_loop3A_380] {strides = array<i32>} : memref<1280xf32, #tpu.memory_space<vmem>>, vector<16xf32>,
        %parallel_loop3A_382 = arith.addf %gather3A_177, %parallel_loop3A_381 : vector<16xf32>
        %parallel_loop3A_383 = arith.subf %parallel_loop3A_382, %parallel_loop3A_379 : vector<16xf32>
        %parallel_loop3A_384 = arith.constant 9.99999971E-10 : f32
        %parallel_loop3A_385 = vector.broadcast %parallel_loop3A_384 : f32 to vector<16xf32>
        %parallel_loop3A_386 = arith.addf %parallel_loop3A_383, %parallel_loop3A_385 : vector<16xf32>
        %parallel_loop3A_387 = arith.divf %parallel_loop3A_379, %parallel_loop3A_386 : vector<16xf32>
        %parallel_loop3A_388 = arith.constant 4.500000e-01 : f32
        %parallel_loop3A_389 = vector.broadcast %parallel_loop3A_388 : f32 to vector<16xf32>
        %parallel_loop3A_390 = arith.cmpf ogt, %parallel_loop3A_387, %parallel_loop3A_389 : vector<16xf32>
        %parallel_loop3A_391 = arith.index_cast %parallel_loop3A_358 : i32 to index
        %parallel_loop3A_392 = tpu.vector_load %arg13[%parallel_loop3A_391] {strides = array<i32>} : memref<1280xf32, #tpu.memory_space<vmem>>, vector<16xf32>,
        %parallel_loop3A_393 = arith.constant -1.000000e+00 : f32
        %parallel_loop3A_394 = vector.broadcast %parallel_loop3A_393 : f32 to vector<16xf32>
        %parallel_loop3A_395 = arith.select %parallel_loop3A_390, %parallel_loop3A_394, %parallel_loop3A_392 : vector<16xi1>, vector<16xf32>
        %parallel_loop3A_396 = arith.index_cast %parallel_loop3A_358 : i32 to index
        %parallel_loop3A_397 = tpu.vector_load %arg13[%parallel_loop3A_396] {strides = array<i32>} : memref<1280xf32, #tpu.memory_space<vmem>>, vector<16xf32>,
        tpu.vector_store %arg13[%parallel_loop3A_396], %parallel_loop3A_395 {strides = array<i32>} : memref<1280xf32, #tpu.memory_space<vmem>>, vector<16xf32>,
        %parallel_loop3A_398 = arith.constant 64 : i32
        %parallel_loop3A_399 = arith.muli %parallel_loop3A_196, %parallel_loop3A_398 : i32
        %parallel_loop3A_400 = arith.constant 48 : i32
        %parallel_loop3A_401 = arith.addi %parallel_loop3A_399, %parallel_loop3A_400 : i32
        %parallel_loop3A_402 = vector.broadcast %parallel_loop3A_401 : i32 to vector<16xi32>
        %parallel_loop3A_403 = arith.addi %parallel_loop3A_402, %iota3A : vector<16xi32>
        %parallel_loop3A_404 = arith.cmpf ogt, %parallel_loop3A_395, %parallel_loop3A_353 : vector<16xf32>
        %parallel_loop3A_405 = arith.select %parallel_loop3A_404, %parallel_loop3A_395, %parallel_loop3A_353 : vector<16xi1>, vector<16xf32>
        %parallel_loop3A_406 = arith.select %parallel_loop3A_404, %parallel_loop3A_403, %parallel_loop3A_354 : vector<16xi1>, vector<16xi32>
        scf.yield %parallel_loop3A_405, %parallel_loop3A_406 : vector<16xf32>, vector<16xi32>
      } {sc.loop_unroll_factor = 1 : i64, sc.parallel_access}
      %eq3A_191 = arith.constant 0 : i32
      %eq3A_192 = arith.cmpi eq, %arg1, %eq3A_191 : i32
      %convert_element_type3A_193 = arith.extui %eq3A_192 : i1 to i32
      %cond3A_194 = arith.constant 0 : i32
      %cond3A_195 = arith.cmpi ne, %convert_element_type3A_193, %cond3A_194 : i32
      scf.if %cond3A_195 {
        %eq3A_196 = arith.constant 0 : i32
        %eq3A_197 = vector.broadcast %eq3A_196 : i32 to vector<16xi32>
        %eq3A_198 = arith.cmpi eq, %iota3A, %eq3A_197 : vector<16xi32>
        %mul3A_199 = arith.mulf %gather3A_161, %select_n3A_188 : vector<16xf32>
        %select_n3A_200 = arith.select %eq3A_198, %mul3A_199, %select_n3A_188 : vector<16xi1>, vector<16xf32>
        %eq3A_201 = arith.constant 1 : i32
        %eq3A_202 = vector.broadcast %eq3A_201 : i32 to vector<16xi32>
        %eq3A_203 = arith.cmpi eq, %iota3A, %eq3A_202 : vector<16xi32>
        %mul3A_204 = arith.mulf %gather3A_165, %select_n3A_188 : vector<16xf32>
        %select_n3A_205 = arith.select %eq3A_203, %mul3A_204, %select_n3A_200 : vector<16xi1>, vector<16xf32>
        %eq3A_206 = arith.constant 2 : i32
        %eq3A_207 = vector.broadcast %eq3A_206 : i32 to vector<16xi32>
        %eq3A_208 = arith.cmpi eq, %iota3A, %eq3A_207 : vector<16xi32>
        %mul3A_209 = arith.mulf %gather3A_169, %select_n3A_188 : vector<16xf32>
        %select_n3A_210 = arith.select %eq3A_208, %mul3A_209, %select_n3A_205 : vector<16xi1>, vector<16xf32>
        %eq3A_211 = arith.constant 3 : i32
        %eq3A_212 = vector.broadcast %eq3A_211 : i32 to vector<16xi32>
        %eq3A_213 = arith.cmpi eq, %iota3A, %eq3A_212 : vector<16xi32>
        %mul3A_214 = arith.mulf %gather3A_173, %select_n3A_188 : vector<16xf32>
        %select_n3A_215 = arith.select %eq3A_213, %mul3A_214, %select_n3A_210 : vector<16xi1>, vector<16xf32>
        %eq3A_216 = arith.constant 4 : i32
        %eq3A_217 = vector.broadcast %eq3A_216 : i32 to vector<16xi32>
        %eq3A_218 = arith.cmpi eq, %iota3A, %eq3A_217 : vector<16xi32>
        %jit3A_219 = arith.constant -1.000000e+00 : f32
        %broadcast_in_dim3A_220 = vector.broadcast %jit3A_219 : f32 to vector<16xf32>
        %select_n3A_221 = arith.select %gt3A_183, %gather3A_181, %broadcast_in_dim3A_220 : vector<16xi1>, vector<16xf32>
        %select_n3A_222 = arith.select %eq3A_218, %select_n3A_221, %select_n3A_215 : vector<16xi1>, vector<16xf32>
        %eq3A_223 = arith.constant 5 : i32
        %eq3A_224 = vector.broadcast %eq3A_223 : i32 to vector<16xi32>
        %eq3A_225 = arith.cmpi eq, %iota3A, %eq3A_224 : vector<16xi32>
        %jit3A_226 = arith.constant 0.000000e+00 : f32
        %broadcast_in_dim3A_227 = vector.broadcast %jit3A_226 : f32 to vector<16xf32>
        %select_n3A_228 = arith.select %gt3A_183, %gather3A_134, %broadcast_in_dim3A_227 : vector<16xi1>, vector<16xf32>
        %select_n3A_229 = arith.select %eq3A_225, %select_n3A_228, %select_n3A_222 : vector<16xi1>, vector<16xf32>
        %mul3A_230 = arith.constant 8 : i32
        %mul3A_231 = arith.muli %scan3A_64, %mul3A_230 : i32
        %add3A_232 = vector.broadcast %mul3A_231 : i32 to vector<16xi32>
        %add3A_233 = arith.addi %add3A_232, %iota3A : vector<16xi32>
        %lt3A_234 = arith.constant 7 : i32
        %lt3A_235 = vector.broadcast %lt3A_234 : i32 to vector<16xi32>
        %lt3A_236 = arith.cmpi slt, %iota3A, %lt3A_235 : vector<16xi32>
        tpu.vector_store_idx %arg18[%add3A_233], %select_n3A_229 masked %lt3A_236 : memref<2560xf32, #tpu.memory_space<vmem>>[vector<16xi32>], vector<16xf32>, vector<16xi1>
      } else {
      }
      scf.yield %parallel_loop3A_190#0, %parallel_loop3A_190#1 : vector<16xf32>, vector<16xi32>
    }
    %scan3A_58 = arith.constant 300 : i32
    %eq3A_59 = arith.constant 0 : i32
    %eq3A_60 = arith.cmpi eq, %arg1, %eq3A_59 : i32
    %convert_element_type3A_61 = arith.extui %eq3A_60 : i1 to i32
    %cond3A_62 = arith.constant 0 : i32
    %cond3A_63 = arith.cmpi ne, %convert_element_type3A_61, %cond3A_62 : i32
    scf.if %cond3A_63 {
      "tpu.region"() ({
        %run_scoped3A = tpu.sem_alloc : memref<!tpu.dma_semaphore, #tpu.memory_space<semaphore_mem>>
        tpu.enqueue_dma source(%arg18 : memref<2560xf32, #tpu.memory_space<vmem>>) target(%arg8 : memref<2560xf32, #tpu.memory_space<hbm>>) target_semaphore(%run_scoped3A : memref<!tpu.dma_semaphore, #tpu.memory_space<semaphore_mem>>)
        tpu.wait_dma2 semaphore(%run_scoped3A : memref<!tpu.dma_semaphore, #tpu.memory_space<semaphore_mem>>) src(%arg18 : memref<2560xf32, #tpu.memory_space<vmem>>) dst(%arg8 : memref<2560xf32, #tpu.memory_space<hbm>>)
        tpu.yield
      }) : () -> ()
    } else {
    }
    return
  }
}

</mosaic_0001>

<sc_bundles>
// kernel: kernel.3.cloned.1.call-start
scs
__scs_entry_jumppad:
0x0: {  	(pc) =	sbr.rel $0x88, $3  }
0x1: {  	(tag) =	ssettag $0x0;
	lr =	simm.s32 $0x1  }
0x2: {  	[smem:$0x3F9E] =	sst lr;
	_ =	strace $0xD0000000  }
0x3: {  	_ = 	snop  }
0x4: {  	_ = 	snop  }
0x5: {  	_ = 	snop  }
0x6: {  	_ = 	snop  }
0x7: {  	_ = 	snop  }
__scs_overlays_trampoline_lowered:
0x8: {  	[smem:$0x3FAD] =	sst s0  }
0x9: {  	[smem:$0x3FAE] =	sst s1  }
0xa: {  	[smem:$0x3FAF] =	sst s2  }
0xb: {  	[smem:$0x3FB0] =	sst s3  }
0xc: {  	[smem:$0x3FB1] =	sst s4  }
0xd: {  	[smem:$0x3FB2] =	sst s5  }
0xe: {  	[smem:$0x3FB3] =	sst s6  }
0xf: {  	[smem:$0x3FB4] =	sst s7  }
0x10: {  	[smem:$0x3FB5] =	sst s8  }
0x11: {  	[smem:$0x3FB6] =	sst s9;
	s0 =	simm.s32 @!p0 $0x0  }
0x12: {  	s1 =	sld [smem:$0x3F9C];
	s0 =	simm.s32 @p0 $0x1  }
0x13: {  	[smem:$0x3FB7] =	sst s0;
	s0 =	simm.s32 @!p1 $0x0  }
0x14: {  	s2 =	sld [smem:$0x3F9B];
	s0 =	simm.s32 @p1 $0x1  }
0x15: {  	[smem:$0x3FB8] =	sst s0;
	s0 =	simm.s32 @!p2 $0x0  }
0x16: {  	s3 =	sld [smem:$0x3FDB];
	s0 =	simm.s32 @p2 $0x1  }
0x17: {  	s4 =	simm.s32 $0x1BF5;
	[smem:$0x3FBA] =	sst s0  }
0x18: {  	s0 =	sld [smem:$0x3F9D];
	_ =	swait.ge [sflag:s4], $0x0  }
0x19: {  	s7 =	sld [smem:$0x3F9E]  }
0x1a: {  	s8 =	sadd.s32 $0xFFFFE003, lr  }
0x1b: {  	s9 =	sadd.s32 $0xFFFFFEF7, lr;
	s5 =	simm.s32 $0xFFFFFFFF;
	p2 =	slt.u32 s8, $0xFFFFF086  }
0x1c: {  	p1 =	slt.u32 s9, $0xF7A;
	s5 =	simm.s32 @!p2 $0x0  }
0x1d: {  	s5 =	simm.s32 @p1 $0x1;
	p0 =	seq.s32 s7, s2  }
0x1e: {  	s7 =	smul.u32 @!p0 $0xF7A, s2;
	p2 =	seq.s32 @!p0 s5, $0x0  }
0x1f: {  	s9 =	smul.u32 $0xF7A, s1;
	s8 =	simm.s32 @!p0 $0x1BF5;
	p2 =	por !p2, p0  }
0x20: {  	[sflag:s8] =	ssyncset.s32 @!p0 $0xFFFFF086;
	s6 =	sadd.s32 @!p0 s3, s7;
	s7 =	simm.s32 @!p0 $0x108  }
0x21: {  	s3 =	sadd.s32 s3, s9;
	s6 =	sadd.s32 @!p0 $0x88, s6;
	s7 =	simm.s32 @p2 $0x1082  }
0x22: {  	[simem:s7], [sflag:s8] =	dma.local @!p0 [hbm:s6], $0xF7A  }
0x23: {  	s9 =	sor.u32 $0xD0000000, s2;
	s6 =	simm.s32 $0x108;
	_ =	swait.ge @!p0 [sflag:s8], $0x0  }
0x24: {  	s3 =	sadd.s32 $0x88, s3;
	s6 =	simm.s32 @!p1 $0x1082;
	[sflag:s4] =	ssyncset.s32 $0xFFFFF086  }
0x25: {  	[simem:s6], [sflag:s4] =	dma.local [hbm:s3], $0xF7A  }
0x26: {  	[smem:$0x3F9E] =	sst s1;
	(tag) =	ssettag s2;
	_ =	strace s9  }
0x27: {  	s1 =	sld [smem:$0x3FAE]  }
0x28: {  	s2 =	sld [smem:$0x3FAF]  }
0x29: {  	s4 =	sld [smem:$0x3FB1]  }
0x2a: {  	p0 =	seq.s32 s5, $0x0;
	s5 =	sld [smem:$0x3FB2]  }
0x2b: {  	s6 =	sld [smem:$0x3FB3]  }
0x2c: {  	s7 =	sld [smem:$0x3FB4]  }
0x2d: {  	s3 =	simm.s32 $0x108;
	s8 =	sld [smem:$0x3FB5]  }
0x2e: {  	s3 =	simm.s32 @!p0 $0x1082;
	s9 =	sld [smem:$0x3FB6]  }
0x2f: {  	lr =	sadd.s32 s0, s3;
	s0 =	sld [smem:$0x3FAD]  }
0x30: {  	s3 =	sld [smem:$0x3FB0]  }
0x31: {  	[smem:$0x3FB9] =	sst s10  }
0x32: {  	s10 =	sld [smem:$0x3FB7];
	_ =	sdelay $0x3  }
0x33: {  	p0 =	seq.s32 s10, $0x1;
	s10 =	sld [smem:$0x3FB9];
	_ =	sdelay $0x3  }
0x34: {  	[smem:$0x3FB9] =	sst s10  }
0x35: {  	s10 =	sld [smem:$0x3FB8];
	_ =	sdelay $0x3  }
0x36: {  	p1 =	seq.s32 s10, $0x1;
	s10 =	sld [smem:$0x3FB9];
	_ =	sdelay $0x3  }
0x37: {  	[smem:$0x3FB9] =	sst s10  }
0x38: {  	s10 =	sld [smem:$0x3FBA]  }
0x39: {  	_ = 	snop;
	(pc) =	sbr.ind lr, $3  }
0x3a: {  	_ = 	snop  }
0x3b: {  	_ = 	snop  }
0x3c: {  	p2 =	seq.s32 s10, $0x1;
	s10 =	sld [smem:$0x3FB9]  }
0x3d: {  	_ =	shalt  }
0x3e: {  	_ =	shalt  }
0x3f: {  	_ =	shalt  }
0x40: {  	_ =	shalt  }
0x41: {  	_ =	shalt  }
0x42: {  	_ =	shalt  }
0x43: {  	_ =	shalt  }
0x44: {  	_ =	shalt  }
0x45: {  	_ =	shalt  }
0x46: {  	_ =	shalt  }
0x47: {  	_ =	shalt  }
0x48: {  	_ =	shalt  }
0x49: {  	_ =	shalt  }
0x4a: {  	_ =	shalt  }
0x4b: {  	_ =	shalt  }
0x4c: {  	_ =	shalt  }
0x4d: {  	_ =	shalt  }
0x4e: {  	_ =	shalt  }
0x4f: {  	_ =	shalt  }
0x50: {  	_ =	shalt  }
0x51: {  	_ =	shalt  }
0x52: {  	_ =	shalt  }
0x53: {  	_ =	shalt  }
0x54: {  	_ =	shalt  }
0x55: {  	_ =	shalt  }
0x56: {  	_ =	shalt  }
0x57: {  	_ =	shalt  }
0x58: {  	_ =	shalt  }
0x59: {  	_ =	shalt  }
0x5a: {  	_ =	shalt  }
0x5b: {  	_ =	shalt  }
0x5c: {  	_ =	shalt  }
0x5d: {  	_ =	shalt  }
0x5e: {  	_ =	shalt  }
0x5f: {  	_ =	shalt  }
0x60: {  	_ =	shalt  }
0x61: {  	_ =	shalt  }
0x62: {  	_ =	shalt  }
0x63: {  	_ =	shalt  }
0x64: {  	_ =	shalt  }
0x65: {  	_ =	shalt  }
0x66: {  	_ =	shalt  }
0x67: {  	_ =	shalt  }
0x68: {  	_ =	shalt  }
0x69: {  	_ =	shalt  }
0x6a: {  	_ =	shalt  }
0x6b: {  	_ =	shalt  }
0x6c: {  	_ =	shalt  }
0x6d: {  	_ =	shalt  }
0x6e: {  	_ =	shalt  }
0x6f: {  	_ =	shalt  }
0x70: {  	_ =	shalt  }
0x71: {  	_ =	shalt  }
0x72: {  	_ =	shalt  }
0x73: {  	_ =	shalt  }
0x74: {  	_ =	shalt  }
0x75: {  	_ =	shalt  }
0x76: {  	_ =	shalt  }
0x77: {  	_ =	shalt  }
0x78: {  	_ =	shalt  }
0x79: {  	_ =	shalt  }
0x7a: {  	_ =	shalt  }
0x7b: {  	_ =	shalt  }
0x7c: {  	_ =	shalt  }
0x7d: {  	_ =	shalt  }
0x7e: {  	_ =	shalt  }
0x7f: {  	_ =	shalt  }
0x80: {  	_ =	shalt  }
0x81: {  	_ =	shalt  }
0x82: {  	_ =	shalt  }
0x83: {  	_ =	shalt  }
0x84: {  	_ =	shalt  }
0x85: {  	_ =	shalt  }
0x86: {  	_ =	shalt  }
0x87: {  	_ =	shalt  }
.Lfunc_end0:
.L_simem_size_0:
called_computation_lowered:
.L_overlay_start_0:
0x88: {  	s0 =	sld [smem:$0x3FD9]  }
0x89: {  	s1 =	sld [smem:$0x3FFE];
	_ =	sdelay $0x3  }
0x8a: {  	s0 =	sadd.s32 s1, s0  }
0x8b: {  	[smem:$0x3FC5] =	sst s0  }
0x8c: {  	_ = 	snop  }
0x8d: {  	(tm) =	ssettm $0x1  }
0x8e: {  	s15 =	sld [smem:$0x3FFB];
	_ =	sdelay $0x3  }
0x8f: {  	_ =	strace s15  }
0x90: {  	s0 =	sld [smem:$0x3FFC];
	_ =	sdelay $0x3  }
0x91: {  	_ =	strace s0  }
0x92: {  	s0 =	sld [smem:$0x3FFD];
	_ =	sdelay $0x3  }
0x93: {  	_ =	strace s0  }
0x94: {  	_ =	strace $0x8FFFFFFF  }
0x95: {  	s16 =	sld [smem:$0x3FDB];
	_ =	sdelay $0x1  }
0x96: {  	s17 =	simm.s32 $_scs_section_size  }
0x97: {  	s2 =	simm.s32 $_size__tile_overlayer_lowered;
	s3 =	simm.s32 $_tile_overlayer_lowered  }
0x98: {  	s20 =	simm.s32 $0x1BFF;
	s19 =	sshll.u32 s3, $0x1;
	s0 =	sadd.s32 s17, s16  }
0x99: {  	s4 =	simm.s32 $0x0;
	s18 =	sshll.u32 s2, $0x1;
	s2 =	sadd.s32 s19, s0  }
0x9a: {  	[timem:s4], [sflag:s20] =	dma.local [hbm:s2], s18  }
0x9b: {  	_ =	swait.ge [sflag:s20], s18  }
0x9c: {  	s1 =	ssub.s32 $0x0, s18;
	[sflag:s20] =	ssyncset.done $0x0  }
0x9d: {  	[sflag:s20] =	ssyncadd.s32 s1;
	_ =	sdelay $0x1  }
0x9e: {  	s21 =	simm.s32 $0x1B8B  }
0x9f: {  	_ =	swait.ge [sflag:s21], $0x1  }
0xa0: {  	[sflag:s21] =	ssyncset.done $0x0  }
0xa1: {  	s23 =	simm.s32 $0x1B8E;
	s22 =	sld [smem:$0x3FFE];
	[sflag:s21] =	ssyncadd.s32 $0xFFFFFFFF  }
0xa2: {  	s24 =	simm.s32 $execute0_lowered;
	[smem:$0x3FD2] =	sst s23  }
0xa3: {  	s2 =	sshll.u32 s24, $0x1;
	_ =	strace $0x80000046;
	[dreg:$0x1] =	wrdreg $0xFFFFFFFF  }
0xa4: {  	s25 =	simm.s32 $_size_execute0_lowered;
	s0 =	sadd.s32 s0, s2;
	[dreg:$0x0] =	wrdreg $0x0  }
0xa5: {  	s2 =	sshll.u32 s25, $0x1;
	[dreg:$0x2] =	wrdreg s0  }
0xa6: {  	[dreg:$0x3] =	wrdreg s2  }
0xa7: {  	[dreg:$0x4] =	wrdreg $0xC0  }
0xa8: {  	_ =	task [dreg:s4], $0x5FFFF  }
0xa9: {  	[dreg:$0x1] =	wrdreg $0xFFFFFFFF  }
0xaa: {  	[dreg:$0x0] =	wrdreg $0x60  }
0xab: {  	[dreg:$0x2] =	wrdreg s22  }
0xac: {  	[dreg:$0x3] =	wrdreg $0x2E800  }
0xad: {  	[dreg:$0x4] =	wrdreg $0x9  }
0xae: {  	_ =	task.clear_ibuf [dreg:s4], $0x5FFFF;
	_ =	strace $0x90000046  }
0xaf: {  	s26 =	simm.s32 $0x9;
	_ =	strace $0x80000048  }
0xb0: {  	_ =	swait.ge [sflag:s26], $0x1  }
0xb1: {  	[sflag:s26] =	ssyncadd.s32 $0xFFFFFFFF  }
0xb2: {  	_ =	strace $0x90000048  }
0xb3: {  	_ =	sfence  }
0xb4: {  	s28 =	sld [smem:$0x0];
	_ =	sdelay $0x1  }
0xb5: {  	s29 =	srdreg.scid  }
0xb6: {  	s30 =	sshll.u32 s29, $0xD;
	s31 =	sshrl.u32 s29, $0x2  }
0xb7: {  	s1 =	sand.u32 $0x1, s29;
	s2 =	sand.u32 $0x4000, s30;
	s0 =	sadd.s32 s31, s28  }
0xb8: {  	s1 =	sor.u32 s2, s1;
	s0 =	sshll.u32 s0, $0x11  }
0xb9: {  	s0 =	sor.u32 s0, s1  }
0xba: {  	s0 =	sadd.s32 $0x8F2B, s0  }
0xbb: {  	[sflag:s0] =	ssyncadd.remote.s32 $0x1  }
0xbc: {  	_ =	sfence.sel $0xFFFF  }
0xbd: {  	[dreg:$0x0] =	wrdreg $0xFFFFFFFF;
	(pc) =	sbr.abs _section_cstart, $3  }
0xbe: {  	[dreg:$0x1] =	wrdreg $0xFFFFFFFF  }
0xbf: {  	_ =	task.clear_ibuf [dreg:s4], $0x2FFFF;
	_ =	strace $0x9FFFFFFF  }
0xc0: {  	(tm) =	ssettm $0x7FFFFFFF  }
0xc1: {  	_ =	shalt  }
tec
execute0_lowered:
.L_overlay_start_1:
0x0: {  	(tag) =	ssettag $0x1  }
0x1: {  	s3 =	rddreg [dreg:$0x0]  }
0x2: {  	s2 =	rddreg [dreg:$0x1];
	s1 =	stileid.u32  }
0x3: {  	s0 =	rddreg [dreg:$0x2];
	s4 =	simm.s32 $0x0;
	s5 =	smul.u32 $0xA0, s1  }
0x4: {  	[smem:$0x7FF] =	sst s4  }
0x5: {  	s10 =	simm.s32 $0x1;
	_ =	strace $0x80000047;
	s8 =	sadd.s32 s3, s5  }
0x6: {  	[tilespmem:s4], [sflag:$0x1] =	stream.linear.gather [hbm4b:s8+s4], $0x500, $0x38;
	[tilespmem:$0x2EA0] =	vst v63  }
0x7: {  	_ =	swait.ge [sflag:s10], $0x500  }
0x8: {  	[sflag:s10] =	ssyncset.done $0x0  }
0x9: {  	s5 =	simm.s32 $0x500;
	s6 =	sadd.s32 $0xA00, s8;
	[sflag:s10] =	ssyncadd.s32 $0xFFFFFB00  }
0xa: {  	[tilespmem:s5], [sflag:$0x1] =	stream.linear.gather [hbm4b:s6+s4], $0x500, $0x38;
	[tilespmem:$0x2EA0] =	vst v63  }
0xb: {  	_ =	swait.ge [sflag:s10], $0x500  }
0xc: {  	[sflag:s10] =	ssyncset.done $0x0  }
0xd: {  	s7 =	sadd.s32 $0x1400, s8;
	s6 =	simm.s32 $0xA00;
	[sflag:s10] =	ssyncadd.s32 $0xFFFFFB00  }
0xe: {  	[tilespmem:s6], [sflag:$0x1] =	stream.linear.gather [hbm4b:s7+s4], $0x500, $0x38;
	[tilespmem:$0x2EA0] =	vst v63  }
0xf: {  	_ =	swait.ge [sflag:s10], $0x500  }
0x10: {  	[sflag:s10] =	ssyncset.done $0x0  }
0x11: {  	s9 =	sadd.s32 $0x1E00, s8;
	s7 =	simm.s32 $0xF00;
	[sflag:s10] =	ssyncadd.s32 $0xFFFFFB00  }
0x12: {  	[tilespmem:s7], [sflag:$0x1] =	stream.linear.gather [hbm4b:s9+s4], $0x500, $0x38;
	[tilespmem:$0x2EA0] =	vst v63  }
0x13: {  	_ =	swait.ge [sflag:s10], $0x500  }
0x14: {  	[sflag:s10] =	ssyncset.done $0x0  }
0x15: {  	s11 =	sadd.s32 $0x3200, s8;
	s9 =	simm.s32 $0x1400;
	[sflag:s10] =	ssyncadd.s32 $0xFFFFFB00  }
0x16: {  	[tilespmem:s9], [sflag:$0x1] =	stream.linear.gather [hbm4b:s11+s4], $0x500, $0x38;
	[tilespmem:$0x2EA0] =	vst v63  }
0x17: {  	_ =	swait.ge [sflag:s10], $0x500  }
0x18: {  	[sflag:s10] =	ssyncset.done $0x0  }
0x19: {  	s30 =	sadd.s32 $0x2800, s8;
	s8 =	simm.s32 $0x1E00;
	[sflag:s10] =	ssyncadd.s32 $0xFFFFFB00  }
0x1a: {  	[tilespmem:s8], [sflag:$0x1] =	stream.linear.gather [hbm4b:s30+s4], $0x500, $0x38;
	[tilespmem:$0x2EA0] =	vst v63  }
0x1b: {  	_ =	swait.ge [sflag:s10], $0x500  }
0x1c: {  	[sflag:s10] =	ssyncset.done $0x0  }
0x1d: {  	s31 =	simm.s32 $0x0;
	[sflag:s10] =	ssyncadd.s32 $0xFFFFFB00  }
0x1e: {  	v1 =	vld [tilespmem:s31+$0x1400];
	_ =	sdelay $0x4  }
0x1f: {  	v0 =	vimm.s32 $0x0;
	vm0 =	vgt.f32 v1, $2.500000000e-01  }
0x20: {  	v2 =	vsel vm0, $0x1, v0  }
0x21: {  	(xrf0) =	vadd.scan.msk.s32 $0xffff, v2;
	_ =	sdelay $0x5  }
0x22: {  	v2, _, _ =	vpop (xrf0)  }
0x23: {  	v2 =	vadd.s32 v2, v0  }
0x24: {  	v4 =	vld [tilespmem:s31+$0xF00];
	v5 =	vadd.s32 $0xFFFFFFFF, v2  }
0x25: {  	v2 =	vld [tilespmem:s31+$0x0]  }
0x26: {  	v3 =	vld [tilespmem:s31+$0x500]  }
0x27: {  	v6 =	vld [tilespmem:s31+$0xA00];
	_ =	sdelay $0x1  }
0x28: {  	v7 =	vld [tilespmem:s31+$0x1E00];
	[tilespmem:v5+s9+$0x0] =	vst.idx.msk vm0, v1  }
0x29: {  	v8 =	vimm.f32 $-2.000000000e+00;
	[tilespmem:v5+s4+$0x0] =	vst.idx.msk vm0, v2  }
0x2a: {  	vm1 =	vgt.f32 v1, v8;
	v9 =	vmpcnt.ones.xlane vm0;
	[tilespmem:v5+s5+$0x0] =	vst.idx.msk vm0, v3  }
0x2b: {  	v11 =	vsub.f32 v4, v3;
	vm1 =	vmand vm0, vm1;
	v10 =	vsub.f32 v6, v2;
	[tilespmem:v5+s6+$0x0] =	vst.idx.msk vm0, v6  }
0x2c: {  	s12 =	simm.s32 $0x80;
	v1 =	vsel vm1, v1, v8;
	v3 =	vadd.s32 v0, v9;
	[tilespmem:v5+s7+$0x0] =	vst.idx.msk vm0, v4  }
0x2d: {  	s3 =	sadd.s32 $0x3C00, s3;
	s11 =	simm.s32 $0x40;
	s10 =	simm.s32 $0x1900;
	v2 =	vsel vm1, v5, v0;
	v6 =	vmul.f32 v11, v10;
	v4 =	vmov v3;
	[tilespmem:v5+s8+$0x0] =	vst.idx.msk vm0, v7  }
.LBB2_1:
0x2e: {  	p0 =	sne.s32 s12, $0x13C0  }
0x2f: {  	s13 =	sshra.s32 s11, $0x2;
	[tilespmem:v5+s10+$0x0] =	vst.idx.msk vm0, v6;
	s11 =	smov.u32 s12;
	s12 =	sadd.s32 $0x40, s12  }
0x30: {  	v6 =	vld [tilespmem:s13+$0x1400];
	_ =	sdelay $0x4  }
0x31: {  	vm0 =	vgt.f32 v6, $2.500000000e-01  }
0x32: {  	v5 =	vsel vm0, $0x1, v0;
	v7 =	vmpcnt.ones.xlane vm0  }
0x33: {  	(xrf0) =	vadd.scan.msk.s32 $0xffff, v5  }
0x34: {  	v3 =	vadd.s32 v3, v7;
	_ =	sdelay $0x4  }
0x35: {  	v5, _, _ =	vpop (xrf0)  }
0x36: {  	vm1 =	vgt.f32 v6, v1;
	v7 =	vld [tilespmem:s13+$0xF00];
	v5 =	vadd.s32 v5, v4;
	v4 =	vmov v3  }
0x37: {  	vm1 =	vmand vm0, vm1;
	v8 =	vld [tilespmem:s13+$0xA00];
	v5 =	vadd.s32 $0xFFFFFFFF, v5  }
0x38: {  	v1 =	vsel vm1, v6, v1;
	v9 =	vld [tilespmem:s13+$0x0];
	v2 =	vsel vm1, v5, v2  }
0x39: {  	v10 =	vld [tilespmem:s13+$0x500];
	_ =	sdelay $0x1  }
0x3a: {  	v11 =	vld [tilespmem:s13+$0x1E00]  }
0x3b: {  	[tilespmem:v5+s9+$0x0] =	vst.idx.msk vm0, v6  }
.Ltmp0:
0x3c: {  	[tilespmem:v5+s4+$0x0] =	vst.idx.msk vm0, v9;
	v6 =	vsub.f32 v8, v9;
	(pc) =	sbr.rel @p0 .LBB2_1-.Ltmp0, $4  }
0x3d: {  	[tilespmem:v5+s5+$0x0] =	vst.idx.msk vm0, v10;
	v9 =	vsub.f32 v7, v10  }
0x3e: {  	[tilespmem:v5+s6+$0x0] =	vst.idx.msk vm0, v8  }
0x3f: {  	[tilespmem:v5+s7+$0x0] =	vst.idx.msk vm0, v7;
	v6 =	vmul.f32 v9, v6  }
0x40: {  	[tilespmem:v5+s8+$0x0] =	vst.idx.msk vm0, v11  }
0x41: {  	_ =	sdelay $0x4  }
0x42: {  	s11 =	sshra.s32 s11, $0x2;
	[tilespmem:v5+s10+$0x0] =	vst.idx.msk vm0, v6  }
0x43: {  	v5 =	vld [tilespmem:s11+$0x1400];
	_ =	sdelay $0x4  }
0x44: {  	vm0 =	vgt.f32 v5, $2.500000000e-01  }
0x45: {  	v6 =	vmpcnt.ones.xlane vm0;
	_ =	sdelay $0x1  }
0x46: {  	v0 =	vsel vm0, $0x1, v0;
	v3 =	vadd.s32 v3, v6  }
0x47: {  	(xrf0) =	vadd.scan.msk.s32 $0xffff, v0;
	v0 =	vxor.u32 $0x80000000, v3  }
0x48: {  	(xrf0) =	vmax.scan.msk.u32 $0xffff, v0;
	_ =	sdelay $0x4  }
0x49: {  	v0, _, _ =	vpop (xrf0)  }
0x4a: {  	v6, _, _ =	vpop (xrf0)  }
0x4b: {  	(v2sf) =	vpush v6, $0xF;
	_ =	sdelay $0x8  }
0x4c: {  	v8 =	vld [tilespmem:s11+$0x500];
	v0 =	vadd.s32 v0, v4  }
0x4d: {  	v4 =	vld [tilespmem:s11+$0xA00];
	v7 =	vadd.s32 $0xFFFFFFFF, v0  }
0x4e: {  	v0 =	vld [tilespmem:s11+$0x0]  }
0x4f: {  	v6 =	vld [tilespmem:s11+$0xF00];
	_ =	sdelay $0x2  }
0x50: {  	v9 =	vld [tilespmem:s11+$0x1E00];
	[tilespmem:v7+s9+$0x0] =	vst.idx.msk vm0, v5;
	s29 =	spop (v2sf)  }
0x51: {  	[tilespmem:v7+s4+$0x0] =	vst.idx.msk vm0, v0;
	p0 =	sne.s32 s29, $0x80000000  }
0x52: {  	v0 =	vsub.f32 v4, v0;
	[tilespmem:v7+s5+$0x0] =	vst.idx.msk vm0, v8;
	v8 =	vsub.f32 v6, v8;
	v10 =	vlaneseq.u32 @!p0  }
0x53: {  	[tilespmem:v7+s6+$0x0] =	vst.idx.msk vm0, v4  }
0x54: {  	[tilespmem:v7+s7+$0x0] =	vst.idx.msk vm0, v6;
	v4 =	vmul.f32 v8, v0  }
0x55: {  	vm2 =	vcmask $0xB1C;
	v0 =	vlaneseq.u32;
	[tilespmem:v7+s8+$0x0] =	vst.idx.msk vm0, v9  }
0x56: {  	v6 =	vadd.s32 v0, v3;
	v8 =	vor.u32 $0x10, v0;
	[tilespmem:v7+s10+$0x0] =	vst.idx.msk vm0, v4;
	v4 =	vimm.f32 @!p0 $0.0e+00;
	s4 =	simm.s32 @!p0 $0x0  }
0x57: {  	v9 =	vor.u32 $0x20, v0;
	vm3 =	vlt.s32 v6, $0x500;
	v8 =	vadd.s32 v8, v3;
	[tilespmem:v10+s4+$0x0] =	vst.idx.msk @!p0 $0x1, v4;
	s4 =	simm.s32 @!p0 $0x500  }
0x58: {  	v11 =	vor.u32 $0x30, v0;
	v9 =	vadd.s32 v9, v3;
	vm6 =	vlt.s32 v8, $0x500;
	[tilespmem:v10+s4+$0x0] =	vst.idx.msk @!p0 $0x1, v4;
	s4 =	simm.s32 @!p0 $0xA00  }
0x59: {  	vm4 =	vcmask $0x131C;
	v13 =	vadd.s32 v11, v3;
	vm7 =	vlt.s32 v9, $0x500;
	[tilespmem:v10+s4+$0x0] =	vst.idx.msk @!p0 $0x1, v4;
	s4 =	simm.s32 @!p0 $0xF00  }
0x5a: {  	s31 =	sshll.u32 s1, $0x6;
	s15 =	simm.s32 $0x1400;
	vm5 =	vcmask $0x171C;
	vm1 =	vgt.f32 v5, v1;
	vm9 =	vlt.s32 v13, $0x500;
	[tilespmem:v10+s4+$0x0] =	vst.idx.msk @!p0 $0x1, v4;
	s4 =	simm.s32 @!p0 $0x1900  }
0x5b: {  	s12 =	simm.s32 $0x2300;
	s13 =	simm.s32 $0x1;
	vm8 =	vcmask $0x718;
	vm10 =	vcmask $0xF18;
	vm0 =	vmand vm0, vm1;
	s6 =	simm.s32 @!p0 $0x1E00;
	[tilespmem:v10+s4+$0x0] =	vst.idx.msk @!p0 $0x1, v4  }
.Ltmp1:
0x5c: {  	s14 =	simm.s32 $0x2380;
	p1 =	seq.s32 s1, $0x0;
	vm11 =	vcmask $0x1318;
	v11 =	vsel vm0, v5, v1;
	v5 =	vimm.f32 $-1.000000000e+00;
	[tilespmem:v10+s6+$0x0] =	vst.idx.msk @!p0 $0x1, v4;
	(pc) =	sbr.rel .LBB2_3-.Ltmp1, $4  }
0x5d: {  	s16 =	simm.s32 $0x0;
	s11 =	sshrl.u32 s31, $0x2;
	s9 =	simm.s32 $0x1900;
	vm1 =	vcmask $0x71C;
	v3 =	vmul.u32 $0xFFFFFFFF, v0;
	v12 =	vsel vm0, v7, v2;
	[tilespmem:v6+s15+$0x0] =	vst.idx.msk vm3, v5  }
0x5e: {  	s5 =	simm.s32 $0x0;
	s7 =	simm.s32 $0xA00;
	v1 =	vimm.s32 $0xF;
	vm0 =	vcmask $0x31C;
	v2 =	vmul.u32 $0x10, v0;
	s30 =	sadd.s32 $0x8000003F, s29;
	[tilespmem:v8+s15+$0x0] =	vst.idx.msk vm6, v5  }
0x5f: {  	s8 =	simm.s32 $0xF00;
	s10 =	simm.s32 $0x1E00;
	v3 =	vadd.s32 $0x80000000, v3;
	s4 =	sshra.s32 s30, $0x6;
	v4 =	vimm.f32 $0.0e+00;
	vm3 =	vcmask $0xF1C;
	[tilespmem:v9+s15+$0x0] =	vst.idx.msk vm7, v5  }
0x60: {  	p0 =	slt.s32 s4, $0x1;
	s6 =	simm.s32 $0x500;
	vm6 =	vmmov $0x1;
	vm7 =	vcmask $0x318;
	[tilespmem:v13+s15+$0x0] =	vst.idx.msk vm9, v5;
	vm9 =	vcmask $0xB18;
	s15 =	simm.s32 $0x2480  }
.LBB2_6:
0x61: {  	vm12 =	vgt.f32 v5, $0.0e+00  }
0x62: {  	v13 =	vsel vm12, $0x3F800000, v4  }
0x63: {  	v9 =	vmul.f32 v13, v9  }
0x64: {  	v10 =	vmul.f32 v10, v13  }
0x65: {  	s17 =	sshll.u32 s16, $0x3;
	s16 =	sadd.s32 $0x1, s16;
	v8 =	vmul.f32 v8, v13;
	v9 =	vsel vm6, v9, v13  }
0x66: {  	p2 =	seq.s32 s16, $0x12C;
	v7 =	vmul.f32 v7, v13;
	v9 =	vsel vm7, v9, v10;
	v10 =	vadd.s32 s17, v0  }
.Ltmp2:
0x67: {  	v8 =	vsel vm8, v9, v8;
	(pc) =	sbr.rel @p2 .LBB2_7-.Ltmp2, $4  }
0x68: {  	v6 =	vnsel vm12, $0xBF800000, v6;
	v7 =	vsel vm9, v8, v7  }
0x69: {  	v5 =	vnsel vm12, $0x0, v5;
	v6 =	vsel vm10, v7, v6  }
0x6a: {  	v5 =	vsel vm11, v6, v5  }
0x6b: {  	[tilespmem:v10+s15+$0x0] =	vst.idx.msk $0x7f, v5  }
.LBB2_3:
0x6c: {  	(xrf0) =	vmax.scan.msk.f32 $0xffff, v11;
	_ =	sdelay $0x5  }
0x6d: {  	v5, _, _ =	vpop (xrf0)  }
0x6e: {  	v5 =	vperm.xlane v5, v1;
	_ =	sdelay $0x1  }
0x6f: {  	v6 =	vsub.s32 $0x80000000, v12;
	vm12 =	veq.f32 v11, v5  }
0x70: {  	v6 =	vnsel vm12, $0x40000000, v6  }
0x71: {  	(xrf0) =	vmax.scan.msk.u32 $0xffff, v6;
	_ =	sdelay $0x5  }
0x72: {  	v6, _, _ =	vpop (xrf0)  }
0x73: {  	v6 =	vxor.u32 $0x80000000, v6  }
0x74: {  	v6 =	vperm.xlane v6, v1;
	_ =	sdelay $0x1  }
0x75: {  	v6 =	vsub.s32 $0x0, v6;
	_ =	sdelay $0x4  }
0x76: {  	v7 =	vld.idx.msk [tilespmem:v6+s5+$0x0], $0xffff  }
0x77: {  	v8 =	vld.idx.msk [tilespmem:v6+s6+$0x0], $0xffff  }
0x78: {  	v9 =	vld.idx.msk [tilespmem:v6+s7+$0x0], $0xffff  }
0x79: {  	v10 =	vld.idx.msk [tilespmem:v6+s8+$0x0], $0xffff  }
0x7a: {  	v11 =	vld.idx.msk [tilespmem:v6+s9+$0x0], $0xffff  }
0x7b: {  	v6 =	vld.idx.msk [tilespmem:v6+s10+$0x0], $0xffff;
	v5 =	vsel vm0, v5, v7  }
0x7c: {  	v5 =	vsel vm1, v5, v8  }
0x7d: {  	v5 =	vsel vm2, v5, v9  }
0x7e: {  	s17 =	sshll.u32 s16, $0x8;
	v5 =	vsel vm3, v5, v10  }
0x7f: {  	s17 =	sand.u32 $0x100, s17;
	v5 =	vsel vm4, v5, v11  }
0x80: {  	s17 =	sadd.s32 s17, s2;
	v5 =	vsel vm5, v5, v6  }
0x81: {  	s18 =	sadd.s32 s11, s17;
	[tilespmem:$0x2300] =	vst v5  }
0x82: {  	[spmem:s18] =	stream.linear.scatter [tilespmem:s12], [sflag:$0x1], $0x10, $0x38;
	[tilespmem:$0x2EA0] =	vst v63  }
0x83: {  	_ =	swait.ge [sflag:s13], $0x10  }
0x84: {  	[sflag:s13] =	ssyncset.done $0x0  }
0x85: {  	[sflag:s13] =	ssyncadd.s32 $0xFFFFFFF0  }
0x86: {  	[bflag:$0x0] =	sbarrier.arrive $0xFFFF  }
0x87: {  	[tilespmem:s14], [sflag:$0x1] =	stream.linear.gather [spmem:s17], $0x100, $0x38;
	[tilespmem:$0x2EA0] =	vst v63  }
0x88: {  	_ =	swait.ge [sflag:s13], $0x100  }
0x89: {  	[sflag:s13] =	ssyncset.done $0x0  }
0x8a: {  	[sflag:s13] =	ssyncadd.s32 $0xFFFFFF00  }
0x8b: {  	v6 =	vld.idx.msk [tilespmem:v2+s14+$0x0], $0xffff;
	_ =	sdelay $0x4  }
0x8c: {  	(xrf0) =	vmax.scan.msk.f32 $0xffff, v6;
	_ =	sdelay $0x5  }
0x8d: {  	v5, _, _ =	vpop (xrf0)  }
0x8e: {  	v5 =	vperm.xlane v5, v1;
	_ =	sdelay $0x1  }
0x8f: {  	vm12 =	veq.f32 v6, v5  }
0x90: {  	v6 =	vnsel vm12, $0x7FFFFFF1, v3  }
0x91: {  	(xrf0) =	vmax.scan.msk.u32 $0xffff, v6;
	_ =	sdelay $0x5  }
0x92: {  	v6, _, _ =	vpop (xrf0)  }
0x93: {  	v6 =	vxor.u32 $0x80000000, v6  }
0x94: {  	v6 =	vperm.xlane v6, v1;
	_ =	sdelay $0x1  }
0x95: {  	v11 =	vshll.u32 v6, $0x4  }
0x96: {  	v6 =	vsub.s32 $0x1, v11  }
0x97: {  	v7 =	vsub.s32 $0x2, v11  }
0x98: {  	v8 =	vsub.s32 $0x3, v11  }
0x99: {  	v63 =	vsub.s32 $0x4, v11  }
0x9a: {  	v13 =	vsub.s32 $0x6, v11  }
.Ltmp3:
0x9b: {  	v9 =	vld.idx.msk [tilespmem:v6+s14+$0x0], $0xffff;
	(pc) =	sbr.rel @p0 .LBB2_4-.Ltmp3, $4  }
0x9c: {  	v10 =	vld.idx.msk [tilespmem:v7+s14+$0x0], $0xffff  }
0x9d: {  	v8 =	vld.idx.msk [tilespmem:v8+s14+$0x0], $0xffff  }
0x9e: {  	v7 =	vld.idx.msk [tilespmem:v63+s14+$0x0], $0xffff  }
0x9f: {  	v6 =	vld.idx.msk [tilespmem:v13+s14+$0x0], $0xffff  }
0xa0: {  	s17 =	simm.s32 $0x0  }
0xa1: {  	v14 =	vld [tilespmem:s17+$0x1920]  }
0xa2: {  	v15 =	vld [tilespmem:s17+$0x1910]  }
0xa3: {  	v16 =	vld [tilespmem:s17+$0x30]  }
0xa4: {  	v17 =	vld [tilespmem:s17+$0x530]  }
0xa5: {  	v18 =	vld [tilespmem:s17+$0xA30]  }
0xa6: {  	v19 =	vld [tilespmem:s17+$0xF30]  }
0xa7: {  	v20 =	vld [tilespmem:s17+$0x1900]  }
0xa8: {  	v21 =	vld [tilespmem:s17+$0x20]  }
0xa9: {  	v22 =	vld [tilespmem:s17+$0x520]  }
0xaa: {  	v26 =	vld [tilespmem:s17+$0x10]  }
0xab: {  	v27 =	vld [tilespmem:s17+$0x510]  }
0xac: {  	v28 =	vld [tilespmem:s17+$0xA10]  }
0xad: {  	v11 =	vsub.s32 $0x5, v11;
	v29 =	vld [tilespmem:s17+$0xF10]  }
0xae: {  	v30 =	vld [tilespmem:s17+$0x0]  }
0xaf: {  	v31 =	vld [tilespmem:s17+$0x500]  }
0xb0: {  	v34 =	vld [tilespmem:s17+$0xA00]  }
0xb1: {  	v39 =	vld [tilespmem:s17+$0xF00]  }
0xb2: {  	v12 =	vimm.f32 $-2.000000000e+00;
	v13 =	vld.idx.msk [tilespmem:v11+s14+$0x0], $0xffff;
	v11 =	vimm.s32 $0x0;
	v16 =	vmax.f32 v9, v16  }
0xb3: {  	v24 =	vld [tilespmem:s17+$0xA20];
	v17 =	vmax.f32 v10, v17;
	v18 =	vmin.f32 v8, v18;
	v35 =	vmin.f32 v7, v19  }
0xb4: {  	p3 =	seq.s32 s4, $0x1;
	v25 =	vld [tilespmem:s17+$0xF20];
	v23 =	vmax.f32 v10, v22;
	v33 =	vmax.f32 v9, v26;
	v32 =	vmax.f32 v10, v27  }
.Ltmp4:
0xb5: {  	v36 =	vmin.f32 v8, v28;
	v38 =	vmax.f32 v9, v30;
	v31 =	vmax.f32 v10, v31;
	(pc) =	sbr.rel @p3 .LBB2_9-.Ltmp4, $4  }
0xb6: {  	v37 =	vmin.f32 v7, v29;
	v40 =	vmin.f32 v8, v34;
	v27 =	vsub.f32 v18, v16  }
0xb7: {  	v34 =	vmin.f32 v7, v39;
	v29 =	vsub.f32 v35, v17;
	v15 =	vadd.f32 v15, v13  }
0xb8: {  	v19 =	vadd.f32 v20, v13;
	v20 =	vmax.f32 v9, v21;
	v21 =	vmin.f32 v8, v24  }
0xb9: {  	s18 =	simm.s32 $0x0;
	s20 =	sadd.s32 $0xFFFFFFFF, s4;
	p2 =	por $0x0, $0x0;
	v14 =	vadd.f32 v14, v13;
	v24 =	vmin.f32 v7, v25;
	v30 =	vsub.f32 v21, v20  }
0xba: {  	s19 =	simm.s32 $0x40;
	v16 =	vld [tilespmem:s17+$0x1930]  }
0xbb: {  	v25 =	vld [tilespmem:s19+$0x1920]  }
0xbc: {  	v26 =	vld [tilespmem:s19+$0x1910]  }
0xbd: {  	v17 =	vsub.f32 v40, v38;
	v18 =	vsub.f32 v34, v31;
	v28 =	vld [tilespmem:s19+$0x30]  }
0xbe: {  	v20 =	vsub.f32 v36, v33;
	v35 =	vld [tilespmem:s19+$0x530]  }
0xbf: {  	v21 =	vsub.f32 v37, v32;
	v31 =	vld [tilespmem:s19+$0xA30];
	v17 =	vmax.f32 v17, $0.0e+00;
	v18 =	vmax.f32 v18, $0.0e+00  }
0xc0: {  	v55 =	vld [tilespmem:s19+$0xF30];
	v57 =	vmul.f32 v18, v17  }
0xc1: {  	v58 =	vld [tilespmem:s19+$0x20];
	v17 =	vmax.f32 v20, $0.0e+00;
	v18 =	vmax.f32 v21, $0.0e+00;
	v21 =	vsub.f32 v24, v23  }
0xc2: {  	v22 =	vmax.f32 v27, $0.0e+00;
	v27 =	vld [tilespmem:s19+$0xF20];
	v20 =	vmul.f32 v18, v17  }
0xc3: {  	v59 =	vld [tilespmem:s19+$0xA10];
	v18 =	vmax.f32 v30, $0.0e+00;
	v17 =	vsub.f32 v19, v57;
	v19 =	vmax.f32 v21, $0.0e+00  }
0xc4: {  	v39 =	vld [tilespmem:s19+$0xF10];
	v15 =	vsub.f32 v15, v20;
	v21 =	vmul.f32 v19, v18  }
0xc5: {  	s22 =	simm.s32 $0x30;
	v61 =	vld [tilespmem:s19+$0x0];
	v18 =	vmax.f32 v29, $0.0e+00;
	v19 =	vadd.f32 v16, v13;
	v17 =	vadd.f32 $9.999999710e-10, v17  }
0xc6: {  	v42 =	vld [tilespmem:s19+$0xA00];
	v16 =	vor.u32 s22, v0;
	v28 =	vmax.f32 v9, v28;
	v18 =	vmul.f32 v18, v22  }
0xc7: {  	v45 =	vld [tilespmem:s19+$0xF00];
	v15 =	vadd.f32 $9.999999710e-10, v15;
	v14 =	vsub.f32 v14, v21;
	(erf) = vrcp.f32 v17  }
0xc8: {  	v23 =	vld [tilespmem:s19+$0x520];
	v43 =	vmax.f32 v10, v35;
	v62 =	vmin.f32 v8, v31;
	v44 =	vmin.f32 v7, v55  }
0xc9: {  	v24 =	vld [tilespmem:s19+$0xA20];
	v19 =	vsub.f32 v19, v18;
	v60 =	vadd.f32 $9.999999710e-10, v14;
	(erf) = vrcp.f32 v15  }
0xca: {  	v30 =	vld [tilespmem:s19+$0x510];
	v46 =	vmax.f32 v9, v58;
	v36 =	vmin.f32 v8, v59;
	v38 =	vmax.f32 v9, v61  }
0xcb: {  	v15 =	vadd.f32 v26, v13;
	v26 =	vld [tilespmem:s19+$0x500];
	v41 =	vadd.f32 $9.999999710e-10, v19;
	(erf) = vrcp.f32 v60  }
0xcc: {  	v56 =	vld [tilespmem:s19+$0x1900];
	v37 =	vmin.f32 v7, v39;
	v40 =	vmin.f32 v8, v42;
	v34 =	vmin.f32 v7, v45  }
0xcd: {  	p3 =	seq.s32 s20, $0x1;
	v29 =	vld [tilespmem:s19+$0x10];
	v22 =	vor.u32 s18, v0;
	v23 =	vmax.f32 v10, v23;
	(erf) = vrcp.f32 v41  }
.Ltmp5:
0xce: {  	s21 =	simm.s32 $0x20;
	v63 =	vmin.f32 v8, v24;
	v24 =	vmin.f32 v7, v27;
	v27 =	vsub.f32 v62, v28;
	(pc) =	sbr.rel @p3 .LBB2_11-.Ltmp5, $4  }
0xcf: {  	v39 =	vld [tilespmem:s17+$0x1400];
	v28 =	vimm.f32 $-2.000000000e+00;
	v17 =	vor.u32 s21, v0;
	v32 =	vmax.f32 v10, v30  }
0xd0: {  	s31 =	simm.s32 $0x10;
	v30 =	vsub.f32 v63, v46;
	v14 =	vadd.f32 v25, v13;
	v31 =	vmax.f32 v10, v26;
	v26 =	vpop (erf)  }
0xd1: {  	p2 =	por $0x1, $0x1;
	v35 =	vld [tilespmem:s17+$0x1410];
	v25 =	vor.u32 s31, v0;
	v19 =	vadd.f32 v56, v13;
	v42 =	vmul.f32 v26, v57  }
0xd2: {  	s22 =	sadd.s32 $0xFFFFFFFF, s20;
	s20 =	simm.s32 $0x0;
	s21 =	simm.s32 $0x100;
	v33 =	vmax.f32 v9, v29;
	v29 =	vsub.f32 v44, v43;
	v41 =	vpop (erf);
	v26 =	vimm.s32 $0x0  }
.LBB2_12:
0xd3: {  	p3 =	seq.s32 s22, $0x1;
	v33 =	vsub.f32 v36, v33;
	vm12 =	vgt.f32 v42, $4.499999880e-01;
	v20 =	vmul.f32 v41, v20;
	v36 =	vld [tilespmem:s17+$0x1420]  }
0xd4: {  	v38 =	vsub.f32 v40, v38;
	v32 =	vsub.f32 v37, v32;
	s21 =	sadd.s32 $0x100, s21;
	v37 =	vsel vm12, $0xBF800000, v39;
	v39 =	vld [tilespmem:s17+$0x1430];
	v40 =	vpop (erf)  }
0xd5: {  	s23 =	sshra.s32 s21, $0x2;
	v41 =	vld [tilespmem:s19+$0x1930];
	[tilespmem:s17+$0x1400] =	vst v37;
	vm12 =	vgt.f32 v37, v28;
	vm13 =	vgt.f32 v20, $4.499999880e-01;
	v20 =	vmul.f32 v40, v21  }
0xd6: {  	v40 =	vld [tilespmem:s23+$0x1920];
	v21 =	vsel vm12, v37, v28;
	v22 =	vsel vm12, v22, v26;
	v26 =	vsel vm13, $0xBF800000, v35;
	v28 =	vpop (erf)  }
0xd7: {  	v35 =	vld [tilespmem:s23+$0x1910];
	[tilespmem:s17+$0x1410] =	vst v26;
	vm12 =	vgt.f32 v26, v21;
	vm13 =	vgt.f32 v20, $4.499999880e-01;
	v18 =	vmul.f32 v28, v18  }
0xd8: {  	v37 =	vld [tilespmem:s23+$0x30];
	v20 =	vsel vm12, v26, v21;
	v21 =	vsel vm12, v25, v22;
	v22 =	vsel vm13, $0xBF800000, v36  }
0xd9: {  	v25 =	vsub.f32 v34, v31;
	v36 =	vld [tilespmem:s23+$0x530];
	[tilespmem:s17+$0x1420] =	vst v22;
	vm12 =	vgt.f32 v22, v20;
	vm13 =	vgt.f32 v18, $4.499999880e-01  }
0xda: {  	v31 =	vld [tilespmem:s23+$0xA30];
	v18 =	vsel vm12, v22, v20;
	v17 =	vsel vm12, v17, v21;
	v20 =	vsel vm13, $0xBF800000, v39  }
0xdb: {  	v21 =	vmax.f32 v38, $0.0e+00;
	v22 =	vmax.f32 v25, $0.0e+00;
	v34 =	vld [tilespmem:s23+$0xF30];
	[tilespmem:s17+$0x1430] =	vst v20;
	vm12 =	vgt.f32 v20, v18;
	s17 =	smov.u32 s19;
	s19 =	smov.u32 s23  }
0xdc: {  	v42 =	vmul.f32 v22, v21;
	v38 =	vld [tilespmem:s19+$0x1900];
	v28 =	vsel vm12, v20, v18;
	v26 =	vsel vm12, v16, v17  }
0xdd: {  	v16 =	vmax.f32 v33, $0.0e+00;
	v17 =	vmax.f32 v32, $0.0e+00;
	v18 =	vsub.f32 v24, v23;
	v39 =	vld [tilespmem:s19+$0x20]  }
0xde: {  	v19 =	vsub.f32 v19, v42;
	v20 =	vmul.f32 v17, v16;
	v16 =	vmax.f32 v27, $0.0e+00;
	v23 =	vld [tilespmem:s19+$0x520]  }
0xdf: {  	v22 =	vmax.f32 v29, $0.0e+00;
	v17 =	vmax.f32 v30, $0.0e+00;
	v18 =	vmax.f32 v18, $0.0e+00;
	v24 =	vld [tilespmem:s19+$0xA20]  }
0xe0: {  	v19 =	vadd.f32 $9.999999710e-10, v19;
	v15 =	vsub.f32 v15, v20;
	v21 =	vmul.f32 v18, v17;
	v27 =	vld [tilespmem:s19+$0xF20]  }
0xe1: {  	s20 =	sadd.s32 $0x40, s20;
	v25 =	vadd.f32 v41, v13;
	v18 =	vmul.f32 v22, v16;
	v29 =	vld [tilespmem:s19+$0x10]  }
0xe2: {  	s24 =	sadd.s32 $0x30, s20;
	s23 =	sadd.s32 $0x20, s20;
	v15 =	vadd.f32 $9.999999710e-10, v15;
	v14 =	vsub.f32 v14, v21;
	v30 =	vld [tilespmem:s19+$0x510];
	(erf) = vrcp.f32 v19  }
0xe3: {  	v22 =	vor.u32 s20, v0;
	v17 =	vor.u32 s23, v0;
	v16 =	vor.u32 s24, v0;
	v41 =	vld [tilespmem:s19+$0xA10]  }
0xe4: {  	s23 =	sadd.s32 $0x10, s20;
	v32 =	vsub.f32 v25, v18;
	v19 =	vadd.f32 $9.999999710e-10, v14;
	v43 =	vld [tilespmem:s19+$0xF10];
	(erf) = vrcp.f32 v15  }
0xe5: {  	v25 =	vor.u32 s23, v0;
	v14 =	vadd.f32 v40, v13;
	v15 =	vadd.f32 v35, v13;
	v44 =	vld [tilespmem:s19+$0x0]  }
0xe6: {  	v45 =	vmax.f32 v9, v37;
	v32 =	vadd.f32 $9.999999710e-10, v32;
	v35 =	vld [tilespmem:s19+$0x500];
	(erf) = vrcp.f32 v19  }
0xe7: {  	v46 =	vmax.f32 v10, v36;
	v47 =	vmin.f32 v8, v31;
	v48 =	vmin.f32 v7, v34;
	v40 =	vld [tilespmem:s19+$0xA00]  }
0xe8: {  	v49 =	vmax.f32 v9, v39;
	v19 =	vadd.f32 v38, v13;
	v34 =	vld [tilespmem:s19+$0xF00];
	(erf) = vrcp.f32 v32  }
.Ltmp6:
0xe9: {  	v23 =	vmax.f32 v10, v23;
	v50 =	vmin.f32 v8, v24;
	v24 =	vmin.f32 v7, v27;
	(pc) =	sbr.rel @!p3 .LBB2_12-.Ltmp6, $4  }
0xea: {  	v33 =	vmax.f32 v9, v29;
	v32 =	vmax.f32 v10, v30;
	v36 =	vmin.f32 v8, v41;
	v39 =	vld [tilespmem:s17+$0x1400]  }
0xeb: {  	v37 =	vmin.f32 v7, v43;
	v38 =	vmax.f32 v9, v44;
	v31 =	vmax.f32 v10, v35;
	v29 =	vpop (erf)  }
0xec: {  	v27 =	vsub.f32 v47, v45;
	v40 =	vmin.f32 v8, v40;
	v42 =	vmul.f32 v29, v42;
	v35 =	vld [tilespmem:s17+$0x1410]  }
0xed: {  	s22 =	sadd.s32 $0xFFFFFFFF, s22;
	v30 =	vsub.f32 v50, v49;
	v29 =	vsub.f32 v48, v46;
	v34 =	vmin.f32 v7, v34;
	v41 =	vpop (erf)  }
0xee: {  	s21 =	smov.u32 s17;
	s17 =	smov.u32 s19  }
.LBB2_14:
0xef: {  	v38 =	vsub.f32 v40, v38;
	v31 =	vsub.f32 v34, v31  }
0xf0: {  	v33 =	vsub.f32 v36, v33  }
0xf1: {  	v32 =	vsub.f32 v37, v32;
	v53 =	vmax.f32 v38, $0.0e+00;
	v31 =	vmax.f32 v31, $0.0e+00  }
0xf2: {  	v23 =	vsub.f32 v24, v23;
	v31 =	vmul.f32 v31, v53  }
0xf3: {  	v54 =	vld [tilespmem:s17+$0x1930];
	v30 =	vmax.f32 v30, $0.0e+00;
	v33 =	vmax.f32 v33, $0.0e+00;
	v32 =	vmax.f32 v32, $0.0e+00  }
0xf4: {  	v23 =	vmax.f32 v23, $0.0e+00;
	v55 =	vmul.f32 v32, v33;
	v19 =	vsub.f32 v19, v31  }
0xf5: {  	v27 =	vmax.f32 v27, $0.0e+00;
	v23 =	vmul.f32 v23, v30  }
0xf6: {  	v29 =	vmax.f32 v29, $0.0e+00;
	v15 =	vsub.f32 v15, v55;
	v19 =	vadd.f32 $9.999999710e-10, v19  }
0xf7: {  	vm12 =	vgt.f32 @p2 v42, $4.499999880e-01;
	v27 =	vmul.f32 v29, v27;
	v14 =	vsub.f32 v14, v23  }
0xf8: {  	v13 =	vadd.f32 v54, v13;
	v15 =	vadd.f32 $9.999999710e-10, v15;
	(erf) = vrcp.f32 v19  }
0xf9: {  	v30 =	vsel @p2 vm12, $0xBF800000, v39;
	v14 =	vadd.f32 $9.999999710e-10, v14  }
0xfa: {  	v29 =	vpop @p2 (erf);
	v13 =	vsub.f32 v13, v27;
	v19 =	vmul.f32 @p2 v41, v20;
	v20 =	vld @p2 [tilespmem:s21+$0x1420];
	(erf) = vrcp.f32 v15  }
0xfb: {  	vm12 =	vgt.f32 @p2 v30, v28;
	v15 =	vmul.f32 @p2 v29, v21  }
0xfc: {  	v13 =	vadd.f32 $9.999999710e-10, v13;
	v21 =	vld @p2 [tilespmem:s21+$0x1430];
	vm13 =	vgt.f32 @p2 v19, $4.499999880e-01;
	(erf) = vrcp.f32 v14  }
0xfd: {  	v19 =	vsel @p2 vm12, v30, v28;
	v14 =	vpop @p2 (erf);
	v28 =	vsel @p2 vm13, $0xBF800000, v35;
	vm14 =	vgt.f32 @p2 v15, $4.499999880e-01  }
0xfe: {  	v14 =	vmul.f32 @p2 v14, v18;
	(erf) = vrcp.f32 v13;
	vm13 =	vgt.f32 @p2 v28, v19  }
0xff: {  	v13 =	vsel @p2 vm13, v28, v19;
	v15 =	vsel @p2 vm14, $0xBF800000, v20  }
0x100: {  	v18 =	vsel @p2 vm12, v22, v26;
	vm14 =	vgt.f32 @p2 v14, $4.499999880e-01;
	v14 =	vld [tilespmem:s17+$0x1400];
	vm12 =	vgt.f32 @p2 v15, v13  }
0x101: {  	s19 =	sadd.s32 @p2 $0x40, s20;
	v18 =	vsel @p2 vm13, v25, v18;
	v19 =	vsel @p2 vm14, $0xBF800000, v21;
	v13 =	vsel @p2 vm12, v15, v13;
	v56 =	vpop (erf)  }
0x102: {  	v58 =	vld [tilespmem:s17+$0x1410];
	s18 =	smov.u32 @p2 s19;
	v17 =	vsel @p2 vm12, v17, v18;
	vm12 =	vgt.f32 @p2 v19, v13;
	v57 =	vmul.f32 v56, v31  }
0x103: {  	v60 =	vor.u32 s18, v0;
	v13 =	vsel @p2 vm12, v19, v13;
	v59 =	vpop (erf)  }
0x104: {  	v61 =	vld [tilespmem:s17+$0x1420];
	v16 =	vsel @p2 vm12, v16, v17;
	v17 =	vmul.f32 v59, v55;
	vm12 =	vgt.f32 v57, $4.499999880e-01  }
0x105: {  	v12 =	vpsel p2, v13, v12;
	v11 =	vpsel p2, v16, v11;
	v13 =	vsel vm12, $0xBF800000, v14;
	v14 =	vpop (erf)  }
0x106: {  	v62 =	vld [tilespmem:s17+$0x1430];
	[tilespmem:s21+$0x1400] =	vst @p2 v30;
	vm13 =	vgt.f32 v17, $4.499999880e-01;
	vm12 =	vgt.f32 v13, v12;
	v14 =	vmul.f32 v14, v23  }
0x107: {  	[tilespmem:s21+$0x1410] =	vst @p2 v28;
	v17 =	vsel vm13, $0xBF800000, v58;
	v63 =	vpop (erf);
	v12 =	vsel vm12, v13, v12;
	v11 =	vsel vm12, v60, v11  }
0x108: {  	s19 =	sadd.s32 $0x10, s18;
	[tilespmem:s21+$0x1420] =	vst @p2 v15;
	vm12 =	vgt.f32 v17, v12;
	vm13 =	vgt.f32 v14, $4.499999880e-01;
	v14 =	vmul.f32 v63, v27  }
.Ltmp7:
0x109: {  	[tilespmem:s21+$0x1430] =	vst @p2 v19;
	v15 =	vor.u32 s19, v0;
	v12 =	vsel vm12, v17, v12;
	v18 =	vsel vm13, $0xBF800000, v61;
	(pc) =	sbr.rel .LBB2_5-.Ltmp7, $4  }
0x10a: {  	s31 =	sadd.s32 $0x20, s18;
	[tilespmem:s17+$0x1400] =	vst v13;
	v11 =	vsel vm12, v15, v11;
	vm12 =	vgt.f32 v18, v12;
	vm13 =	vgt.f32 v14, $4.499999880e-01  }
0x10b: {  	s18 =	sadd.s32 $0x30, s18;
	v13 =	vor.u32 s31, v0;
	[tilespmem:s17+$0x1410] =	vst v17;
	v12 =	vsel vm12, v18, v12;
	v14 =	vsel vm13, $0xBF800000, v62  }
0x10c: {  	v15 =	vor.u32 s18, v0;
	[tilespmem:s17+$0x1420] =	vst v18;
	v13 =	vsel vm12, v13, v11;
	vm12 =	vgt.f32 v14, v12  }
0x10d: {  	[tilespmem:s17+$0x1430] =	vst v14;
	v11 =	vsel vm12, v14, v12;
	v12 =	vsel vm12, v15, v13  }
.LBB2_4:
0x10e: {  	v12 =	vimm.s32 $0x0;
	v11 =	vimm.f32 $-2.000000000e+00  }
.LBB2_5:
.Ltmp8:
0x10f: {  	(pc) =	sbr.rel @p1 .LBB2_6-.Ltmp8, $1  }
0x110: {  	_ =	sdelay $0x3  }
0x111: {  	s16 =	sadd.s32 $0x1, s16  }
0x112: {  	p2 =	seq.s32 s16, $0x12C  }
.Ltmp9:
0x113: {  	_ = 	snop;
	(pc) =	sbr.rel @!p2 .LBB2_3-.Ltmp9, $4  }
.Ltmp10:
0x114: {  	_ = 	snop;
	(pc) =	sbr.rel @p2 .LBB2_16-.Ltmp10, $4  }
0x115: {  	_ = 	snop  }
0x116: {  	_ = 	snop  }
0x117: {  	_ = 	snop  }
0x118: {  	_ = 	snop  }
.LBB2_9:
.Ltmp11:
0x119: {  	(pc) =	sbr.rel .LBB2_14-.Ltmp11, $2  }
0x11a: {  	_ =	sdelay $0x2  }
0x11b: {  	v28 =	vimm.f32 $-2.000000000e+00;
	v26 =	vimm.s32 $0x0;
	s20 =	simm.s32 $0x0  }
.LBB2_11:
.Ltmp12:
0x11c: {  	(pc) =	sbr.rel .LBB2_14-.Ltmp12, $2  }
0x11d: {  	_ =	sdelay $0x2  }
0x11e: {  	s21 =	simm.s32 $0x0;
	s17 =	simm.s32 $0x40;
	v28 =	vimm.f32 $-2.000000000e+00;
	v26 =	vimm.s32 $0x0;
	s20 =	simm.s32 $0x0  }
.LBB2_7:
0x11f: {  	s2 =	simm.s32 $0x0;
	s4 =	simm.s32 $0x2480;
	s31 =	simm.s32 $0x1  }
0x120: {  	[hbm4b:s3+s2] =	stream.linear.scatter [tilespmem:s4], [sflag:$0x1], $0xA00, $0x38;
	[tilespmem:$0x2EA0] =	vst v63  }
0x121: {  	_ =	swait.ge [sflag:s31], $0xA00  }
0x122: {  	[sflag:s31] =	ssyncset.done $0x0  }
0x123: {  	[sflag:s31] =	ssyncadd.s32 $0xFFFFF600  }
.LBB2_16:
0x124: {  	_ =	sfence.sel $0x180000  }
0x125: {  	[bflag:$0x0] =	sbarrier.arrive $0xFFFF  }
0x126: {  	p0 =	sne.s32 s1, $0x0;
	_ =	strace $0x90000047  }
0x127: {  	s0 =	sadd.s32 @!p0 $0x100000, s0;
	[bflag:$0x2] =	sbarrier.arrive $0xFFFF  }
0x128: {  	[sflag:s0] =	ssyncadd.tile.s32 @!p0 $0x1;
	_ =	shalt  }
.Lfunc_end2:
_tile_overlayer_lowered:
.L_overlay_start_2:
0x129: {  	(tag) =	ssettag $0x2  }
0x12a: {  	s0 =	rddreg [dreg:$0x0];
	s2 =	stileid.u32  }
0x12b: {  	s1 =	rddreg [dreg:$0x1];
	p0 =	sne.s32 s2, $0x0  }
0x12c: {  	s3 =	rddreg [dreg:$0x2];
	[bflag:$0x3] =	sbarrier.arrive $0xFFFF;
	s2 =	simm.s32 @!p0 $0x1C01  }
0x12d: {  	[timem:s3], [sflag:s2] =	dma.local @!p0 [hbm:s0], s1  }
0x12e: {  	s0 =	simm.s32 @!p0 $0x1  }
0x12f: {  	_ =	swait.ge @!p0 [sflag:s0], s1  }
0x130: {  	s1 =	ssub.s32 @!p0 $0x0, s1;
	[sflag:s0] =	ssyncset.done @!p0 $0x0  }
0x131: {  	[sflag:s0] =	ssyncadd.s32 @!p0 s1  }
0x132: {  	[bflag:$0x3] =	sbarrier.arrive $0xFFFF  }
0x133: {  	_ =	shalt  }

</sc_bundles>
